<compile_context>
chip_gen: v7x
topology: tpu7x:2x2x1
jax: 0.10.2.dev20260603
libtpu: 0.0.44.dev20260713+nightly
codegen_flags: <defaults>
</compile_context>

<pallas_src>
import functools

import jax
import jax.numpy as jnp
import numpy as np
from jax import lax
from jax.experimental import pallas as pl
from jax.experimental.pallas import tpu as pltpu
from jax.experimental.pallas import tpu_sc as plsc

N = 10000
D = 128
E = 320000

NC = 2
NS = 16
L = 16
NW = NC * NS

NP = 10240
EC = 128
NCH = 80
NCHP = NCH + 2
E3 = NW * NCHP * EC
ROWS_T = NP // NS

BM = 256

_I0 = np.int32(0)


def _new_mesh():
    return plsc.VectorSubcoreMesh(core_axis_name="c", subcore_axis_name="s")


@functools.partial(
    pl.kernel,
    out_type=jax.ShapeDtypeStruct((NC, NP, D), jnp.float32),
    mesh=_new_mesh(),
    scratch_types=[
        pltpu.VMEM_SHARED((NP, D), jnp.float32),
        pltpu.VMEM((EC, D), jnp.float32),
        pltpu.VMEM((EC,), jnp.int32),
        pltpu.VMEM((EC,), jnp.int32),
        pltpu.SemaphoreType.DMA,
    ],
)
def _sc_degree(dst_hbm, zeros_hbm, ones_hbm, out_hbm, deg_sh, ones_v, da, db, isem):
    c = lax.axis_index("c")
    s = lax.axis_index("s")
    w = s * NC + c

    pltpu.sync_copy(zeros_hbm, deg_sh.at[pl.ds(s * ROWS_T, ROWS_T)])
    pltpu.sync_copy(ones_hbm, ones_v)
    plsc.subcore_barrier()

    base0 = w * (NCHP * EC)

    def drain_i(buf):
        pltpu.make_async_copy(dst_hbm.at[pl.ds(jnp.int32(0), EC)], buf, isem).wait()

    pltpu.sync_copy(dst_hbm.at[pl.ds(base0, EC)], da)
    pltpu.async_copy(dst_hbm.at[pl.ds(base0 + EC, EC)], db, isem)

    def pair(t, carry):
        e = 2 * t
        drain_i(db)
        pltpu.sync_copy(ones_v, deg_sh.at[da], add=True)
        pltpu.async_copy(dst_hbm.at[pl.ds(base0 + (e + 2) * EC, EC)], da, isem)
        pltpu.sync_copy(ones_v, deg_sh.at[db], add=True)
        drain_i(da)
        pltpu.async_copy(dst_hbm.at[pl.ds(base0 + (e + 3) * EC, EC)], db, isem)
        return carry

    lax.fori_loop(jnp.int32(0), jnp.int32(NCH // 2), pair, jnp.int32(0))
    drain_i(db)
    plsc.subcore_barrier()

    pltpu.sync_copy(deg_sh.at[pl.ds(s * ROWS_T, ROWS_T)],
                    out_hbm.at[c].at[pl.ds(s * ROWS_T, ROWS_T)])


@functools.partial(
    pl.kernel,
    out_type=jax.ShapeDtypeStruct((NC, NP, D), jnp.float32),
    mesh=_new_mesh(),
    scratch_types=[
        pltpu.VMEM_SHARED((NP, D), jnp.float32),
        pltpu.VMEM((EC,), jnp.int32),
        pltpu.VMEM((EC,), jnp.int32),
        pltpu.VMEM((EC,), jnp.int32),
        pltpu.VMEM((EC,), jnp.int32),
        pltpu.VMEM((EC, D), jnp.float32),
        pltpu.VMEM((EC, D), jnp.float32),
        pltpu.SemaphoreType.DMA,
        pltpu.SemaphoreType.DMA,
    ],
)
def _sc_segsum(xs_hbm, src_hbm, dst_hbm, zrows_hbm, out_hbm,
               agg_sh, sa, sb, da, db, bufa, bufb, gsem, isem):
    c = lax.axis_index("c")
    s = lax.axis_index("s")
    w = s * NC + c

    pltpu.sync_copy(zrows_hbm, agg_sh.at[pl.ds(s * ROWS_T, ROWS_T)])
    plsc.subcore_barrier()

    base0 = w * (NCHP * EC)

    idx_load_a = lambda g: (
        pltpu.async_copy(src_hbm.at[pl.ds(base0 + g * EC, EC)], sa, isem),
        pltpu.async_copy(dst_hbm.at[pl.ds(base0 + g * EC, EC)], da, isem))
    idx_load_b = lambda g: (
        pltpu.async_copy(src_hbm.at[pl.ds(base0 + g * EC, EC)], sb, isem),
        pltpu.async_copy(dst_hbm.at[pl.ds(base0 + g * EC, EC)], db, isem))

    def drain_i(buf):
        pltpu.make_async_copy(src_hbm.at[pl.ds(jnp.int32(0), EC)], buf, isem).wait()

    pltpu.sync_copy(src_hbm.at[pl.ds(base0, EC)], sa)
    pltpu.sync_copy(dst_hbm.at[pl.ds(base0, EC)], da)
    idx_load_b(jnp.int32(1))

    def pair(t, carry):
        e = 2 * t
        pltpu.async_copy(xs_hbm.at[sa], bufa, gsem).wait()
        pltpu.sync_copy(bufa, agg_sh.at[da], add=True)
        drain_i(sb)
        drain_i(db)
        idx_load_a(e + 2)
        pltpu.async_copy(xs_hbm.at[sb], bufb, gsem).wait()
        pltpu.sync_copy(bufb, agg_sh.at[db], add=True)
        drain_i(sa)
        drain_i(da)
        idx_load_b(e + 3)
        return carry

    lax.fori_loop(jnp.int32(0), jnp.int32(NCH // 2), pair, jnp.int32(0))
    drain_i(sb)
    drain_i(db)
    plsc.subcore_barrier()

    pltpu.sync_copy(agg_sh.at[pl.ds(s * ROWS_T, ROWS_T)],
                    out_hbm.at[c].at[pl.ds(s * ROWS_T, ROWS_T)])


def _tc_prep_body(d0_ref, d1_ref, x_ref, xs_ref, dv_ref):
    deg = d0_ref[...][:, 0:1] + d1_ref[...][:, 0:1]
    dv = lax.rsqrt(deg + 1.0)
    xs_ref[...] = x_ref[...] * dv
    dv_ref[...] = dv


def _tc_prep(d0, d1, x_p):
    return pl.pallas_call(
        _tc_prep_body,
        grid=(NP // BM,),
        in_specs=[
            pl.BlockSpec((BM, D), lambda i: (i, _I0)),
            pl.BlockSpec((BM, D), lambda i: (i, _I0)),
            pl.BlockSpec((BM, D), lambda i: (i, _I0)),
        ],
        out_specs=[
            pl.BlockSpec((BM, D), lambda i: (i, _I0)),
            pl.BlockSpec((BM, 1), lambda i: (i, _I0)),
        ],
        out_shape=[
            jax.ShapeDtypeStruct((NP, D), jnp.float32),
            jax.ShapeDtypeStruct((NP, 1), jnp.float32),
        ],
    )(d0, d1, x_p)


def _tc_finish_body(x_ref, xs_ref, a0_ref, a1_ref, dv_ref, w_ref,
                    b_ref, g_ref, bt_ref, o_ref):
    sagg = a0_ref[...] + a1_ref[...] + xs_ref[...]
    h = jnp.dot(sagg, w_ref[...], preferred_element_type=jnp.float32)
    y = x_ref[...] + dv_ref[...] * h + b_ref[...]
    mu = jnp.mean(y, axis=-1, keepdims=True)
    yc = y - mu
    var = jnp.mean(yc * yc, axis=-1, keepdims=True)
    o_ref[...] = yc * lax.rsqrt(var + 1e-3) * g_ref[...] + bt_ref[...]


def _tc_finish(x_p, xs, a0, a1, dv, W, b, gamma, beta):
    return pl.pallas_call(
        _tc_finish_body,
        grid=(NP // BM,),
        in_specs=[
            pl.BlockSpec((BM, D), lambda i: (i, _I0)),
            pl.BlockSpec((BM, D), lambda i: (i, _I0)),
            pl.BlockSpec((BM, D), lambda i: (i, _I0)),
            pl.BlockSpec((BM, D), lambda i: (i, _I0)),
            pl.BlockSpec((BM, 1), lambda i: (i, _I0)),
            pl.BlockSpec((D, D), lambda i: (_I0, _I0)),
            pl.BlockSpec((1, D), lambda i: (_I0, _I0)),
            pl.BlockSpec((1, D), lambda i: (_I0, _I0)),
            pl.BlockSpec((1, D), lambda i: (_I0, _I0)),
        ],
        out_specs=pl.BlockSpec((BM, D), lambda i: (i, _I0)),
        out_shape=jax.ShapeDtypeStruct((NP, D), jnp.float32),
    )(x_p, xs, a0, a1, dv, W, b, gamma, beta)


def kernel(x, edge_index, W, b, gamma, beta):
    src = edge_index[0].astype(jnp.int32)
    dst = edge_index[1].astype(jnp.int32)
    x_p = jnp.pad(x.astype(jnp.float32), ((0, NP - N), (0, 0)))

    epw = E // NW
    padw = NCHP * EC - epw
    padv = (N + (jnp.arange(NW * padw, dtype=jnp.int32) % (NP - N))
            ).reshape(NW, padw)

    def _blocks(a):
        return jnp.concatenate([a.reshape(NW, epw), padv], axis=1).reshape(-1)

    src_p = _blocks(src)
    dst_p = _blocks(dst)

    zeros_d = jnp.zeros((ROWS_T, D), jnp.float32)
    ones_d = jnp.ones((EC, D), jnp.float32)

    deg = _sc_degree(dst_p, zeros_d, ones_d)
    xs, dv = _tc_prep(deg[0], deg[1], x_p)
    agg = _sc_segsum(xs, src_p, dst_p, zeros_d)
    out = _tc_finish(x_p, xs, agg[0], agg[1], dv,
                     W.astype(jnp.float32),
                     b.astype(jnp.float32).reshape(1, D),
                     gamma.astype(jnp.float32).reshape(1, D),
                     beta.astype(jnp.float32).reshape(1, D))
    return out[:N]

# --- scband reference (transcript-rebuilt; emitter-appended) ---
"""Pipeline reference for scband-residual-gnnlayer-33071248179792 (READ-ONLY COPY).

The authoritative reference and input builder live on the scoring server;
editing this copy changes nothing except your own understanding.
"""

import jax, jax.numpy as jnp
import numpy as np
jax.config.update("jax_enable_x64", True)

N = 10000
E = 320000
D = 128


def setup_inputs(seed: int = 0) -> dict:
    key = jax.random.key(seed)
    ks = jax.random.split(key, 4)
    x = jax.random.normal(ks[0], (N, D), dtype=jnp.float32)
    edge_index = jax.random.randint(ks[1], (2, E), 0, N, dtype=jnp.int64)
    W = jax.random.normal(ks[2], (D, D), dtype=jnp.float32) * (1.0 / np.sqrt(D))
    b = jnp.zeros((D,), dtype=jnp.float32)
    gamma = jnp.ones((D,), dtype=jnp.float32)
    beta = jnp.zeros((D,), dtype=jnp.float32)
    return {"x": x, "edge_index": edge_index, "W": W, "b": b, "gamma": gamma, "beta": beta}


def _gcn_residual_forward(x, edge_index, W, b, gamma, beta):
    n = x.shape[0]
    # GCNConv with self-loops and symmetric degree normalization
    loop = jnp.arange(n, dtype=edge_index.dtype)
    src = jnp.concatenate([edge_index[0], loop])
    dst = jnp.concatenate([edge_index[1], loop])
    deg = jnp.zeros((n,), dtype=x.dtype).at[dst].add(jnp.float32(1.0))
    dinv = jax.lax.rsqrt(jnp.maximum(deg, 1.0))
    norm = dinv[src] * dinv[dst]
    h = x @ W
    msg = jnp.take(h, src, axis=0) * norm[:, None]
    agg = jnp.zeros((n, h.shape[1]), dtype=x.dtype).at[dst].add(msg)
    out = agg + b
    # residual (in_channels == out_channels) + LayerNormalization (Keras eps=1e-3)
    y = x + out
    mu = jnp.mean(y, axis=-1, keepdims=True)
    var = jnp.mean(jnp.square(y - mu), axis=-1, keepdims=True)
    ynorm = (y - mu) * jax.lax.rsqrt(var + 1e-3)
    return ynorm * gamma + beta


def reference(x, edge_index, W, b, gamma, beta):
    return _gcn_residual_forward(x, edge_index, W, b, gamma, beta)

if __name__ == "__main__":
    import jax
    _d = setup_inputs()
    print(jax.jit(kernel)(*tuple(_d.values())))

</pallas_src>

<mosaic_0001>
#map = affine_map<(d0, d1) -> (0)>
#map1 = affine_map<(d0, d1) -> (0, 0)>
#map2 = affine_map<(d0, d1) -> (0, 0, 0)>
module attributes {stable_mosaic.version = 14 : i64} {
  func.func @_sc_degree(%arg0: i32, %arg1: i32, %arg2: memref<335872xi32, #tpu.memory_space<hbm>>, %arg3: memref<640x128xf32, #tpu.memory_space<hbm>>, %arg4: memref<128x128xf32, #tpu.memory_space<hbm>>, %arg5: memref<2x10240x128xf32, #tpu.memory_space<hbm>>, %arg6: memref<10240x128xf32, #tpu.memory_space<vmem_shared>>, %arg7: memref<128x128xf32, #tpu.memory_space<vmem>>, %arg8: memref<128xi32, #tpu.memory_space<vmem>>, %arg9: memref<128xi32, #tpu.memory_space<vmem>>, %arg10: memref<!tpu.dma_semaphore, #tpu.memory_space<semaphore_mem>>) attributes {dimension_semantics = [#tpu.dimension_semantics<core_parallel>, #tpu.dimension_semantics<subcore_parallel>], iteration_bounds = array<i64: 2, 16>, scalar_prefetch = 0 : i64, scratch_operands = 5 : i64, tpu.core_type = #tpu.core_type<sc_vector_subcore>, window_params = [{transform_indices = #map}, {transform_indices = #map1}, {transform_indices = #map1}, {transform_indices = #map2}]} {
    %mul3A = arith.constant 2 : i32
    %mul3A_0 = arith.muli %arg1, %mul3A : i32
    %add3A = arith.addi %mul3A_0, %arg0 : i32
    %mul3A_1 = arith.constant 640 : i32
    %mul3A_2 = arith.muli %arg1, %mul3A_1 : i32
    "tpu.region"() ({
      %run_scoped3A = tpu.sem_alloc : memref<!tpu.dma_semaphore, #tpu.memory_space<semaphore_mem>>
      %dma_start3A_25 = arith.constant 0 : i32
      %dma_start3A_26 = tpu.memref_slice %arg6[%mul3A_2, %dma_start3A_25] : memref<10240x128xf32, #tpu.memory_space<vmem_shared>> -> memref<640x128xf32, #tpu.memory_space<vmem_shared>>
      tpu.enqueue_dma source(%arg3 : memref<640x128xf32, #tpu.memory_space<hbm>>) target(%dma_start3A_26 : memref<640x128xf32, #tpu.memory_space<vmem_shared>>) target_semaphore(%run_scoped3A : memref<!tpu.dma_semaphore, #tpu.memory_space<semaphore_mem>>)
      %dma_wait3A_27 = arith.constant 0 : i32
      %dma_wait3A_28 = tpu.memref_slice %arg6[%mul3A_2, %dma_wait3A_27] : memref<10240x128xf32, #tpu.memory_space<vmem_shared>> -> memref<640x128xf32, #tpu.memory_space<vmem_shared>>
      tpu.wait_dma2 semaphore(%run_scoped3A : memref<!tpu.dma_semaphore, #tpu.memory_space<semaphore_mem>>) src(%arg3 : memref<640x128xf32, #tpu.memory_space<hbm>>) dst(%dma_wait3A_28 : memref<640x128xf32, #tpu.memory_space<vmem_shared>>)
      tpu.yield
    }) : () -> ()
    "tpu.region"() ({
      %run_scoped3A = tpu.sem_alloc : memref<!tpu.dma_semaphore, #tpu.memory_space<semaphore_mem>>
      tpu.enqueue_dma source(%arg4 : memref<128x128xf32, #tpu.memory_space<hbm>>) target(%arg7 : memref<128x128xf32, #tpu.memory_space<vmem>>) target_semaphore(%run_scoped3A : memref<!tpu.dma_semaphore, #tpu.memory_space<semaphore_mem>>)
      tpu.wait_dma2 semaphore(%run_scoped3A : memref<!tpu.dma_semaphore, #tpu.memory_space<semaphore_mem>>) src(%arg4 : memref<128x128xf32, #tpu.memory_space<hbm>>) dst(%arg7 : memref<128x128xf32, #tpu.memory_space<vmem>>)
      tpu.yield
    }) : () -> ()
    %barrier3A = arith.constant 0 : index
    tpu.barrier barrier_id(%barrier3A)
    %mul3A_3 = arith.constant 10496 : i32
    %mul3A_4 = arith.muli %add3A, %mul3A_3 : i32
    "tpu.region"() ({
      %run_scoped3A = tpu.sem_alloc : memref<!tpu.dma_semaphore, #tpu.memory_space<semaphore_mem>>
      %dma_start3A_25 = tpu.memref_slice %arg2[%mul3A_4] : memref<335872xi32, #tpu.memory_space<hbm>> -> memref<128xi32, #tpu.memory_space<hbm>>
      %dma_start3A_26 = tpu.memref_slice %arg2[%mul3A_4] : memref<335872xi32, #tpu.memory_space<hbm>> -> memref<128xi32, #tpu.memory_space<hbm>>
      tpu.enqueue_dma source(%dma_start3A_26 : memref<128xi32, #tpu.memory_space<hbm>>) target(%arg8 : memref<128xi32, #tpu.memory_space<vmem>>) target_semaphore(%run_scoped3A : memref<!tpu.dma_semaphore, #tpu.memory_space<semaphore_mem>>)
      %dma_wait3A_27 = tpu.memref_slice %arg2[%mul3A_4] : memref<335872xi32, #tpu.memory_space<hbm>> -> memref<128xi32, #tpu.memory_space<hbm>>
      %dma_wait3A_28 = tpu.memref_slice %arg2[%mul3A_4] : memref<335872xi32, #tpu.memory_space<hbm>> -> memref<128xi32, #tpu.memory_space<hbm>>
      tpu.wait_dma2 semaphore(%run_scoped3A : memref<!tpu.dma_semaphore, #tpu.memory_space<semaphore_mem>>) src(%dma_wait3A_28 : memref<128xi32, #tpu.memory_space<hbm>>) dst(%arg8 : memref<128xi32, #tpu.memory_space<vmem>>)
      tpu.yield
    }) : () -> ()
    %add3A_5 = arith.constant 128 : i32
    %add3A_6 = arith.addi %mul3A_4, %add3A_5 : i32
    %dma_start3A = tpu.memref_slice %arg2[%add3A_6] : memref<335872xi32, #tpu.memory_space<hbm>> -> memref<128xi32, #tpu.memory_space<hbm>>
    %dma_start3A_7 = tpu.memref_slice %arg2[%add3A_6] : memref<335872xi32, #tpu.memory_space<hbm>> -> memref<128xi32, #tpu.memory_space<hbm>>
    tpu.enqueue_dma source(%dma_start3A_7 : memref<128xi32, #tpu.memory_space<hbm>>) target(%arg9 : memref<128xi32, #tpu.memory_space<vmem>>) target_semaphore(%arg10 : memref<!tpu.dma_semaphore, #tpu.memory_space<semaphore_mem>>)
    %while3A = arith.constant 0 : i32
    %while3A_8 = arith.constant 0 : i32
    %while3A_9 = arith.constant 40 : i32
    %while3A_10 = arith.subi %while3A_9, %while3A_8 : i32
    %while3A_11 = arith.addi %while3A_8, %while3A_10 : i32
    %while3A_12 = arith.constant 1 : i32
    %while3A_13 = arith.divsi %while3A_10, %while3A_12 : i32
    %while3A_14 = arith.muli %while3A_13, %while3A_12 : i32
    %while3A_15 = arith.addi %while3A_8, %while3A_14 : i32
    %while3A_16 = arith.constant 1 : i32
    scf.for %while3A_25 = %while3A_8 to %while3A_15 step %while3A_16  : i32 {
      %mul3A_26 = arith.constant 2 : i32
      %mul3A_27 = arith.muli %mul3A_26, %while3A_25 : i32
      %dma_wait3A_28 = arith.constant 0 : i32
      %dma_wait3A_29 = tpu.memref_slice %arg2[%dma_wait3A_28] : memref<335872xi32, #tpu.memory_space<hbm>> -> memref<128xi32, #tpu.memory_space<hbm>>
      %dma_wait3A_30 = tpu.memref_slice %arg2[%dma_wait3A_28] : memref<335872xi32, #tpu.memory_space<hbm>> -> memref<128xi32, #tpu.memory_space<hbm>>
      tpu.wait_dma2 semaphore(%arg10 : memref<!tpu.dma_semaphore, #tpu.memory_space<semaphore_mem>>) src(%dma_wait3A_30 : memref<128xi32, #tpu.memory_space<hbm>>) dst(%arg9 : memref<128xi32, #tpu.memory_space<vmem>>)
      "tpu.region"() ({
        %run_scoped3A = tpu.sem_alloc : memref<!tpu.dma_semaphore, #tpu.memory_space<semaphore_mem>>
        %dma_start3A_48 = arith.constant 0 : i32
        %dma_start3A_49 = arith.constant 0 : i32
        %dma_start3A_50 = tpu.memref_slice %arg6[%dma_start3A_48, %dma_start3A_49] : memref<10240x128xf32, #tpu.memory_space<vmem_shared>> -> memref<10240x128xf32, #tpu.memory_space<vmem_shared>>
        tpu.enqueue_indirect_dma source(%arg7 : memref<128x128xf32, #tpu.memory_space<vmem>>) target(%dma_start3A_50 : memref<10240x128xf32, #tpu.memory_space<vmem_shared>>) offsets(%arg8 : memref<128xi32, #tpu.memory_space<vmem>>) semaphore(%run_scoped3A : memref<!tpu.dma_semaphore, #tpu.memory_space<semaphore_mem>>) {add = true}
        %dma_wait3A_51 = arith.constant 0 : i32
        %dma_wait3A_52 = arith.constant 0 : i32
        %dma_wait3A_53 = tpu.memref_slice %arg6[%dma_wait3A_51, %dma_wait3A_52] : memref<10240x128xf32, #tpu.memory_space<vmem_shared>> -> memref<10240x128xf32, #tpu.memory_space<vmem_shared>>
        tpu.wait_indirect_dma semaphore(%run_scoped3A : memref<!tpu.dma_semaphore, #tpu.memory_space<semaphore_mem>>) src(%arg7 : memref<128x128xf32, #tpu.memory_space<vmem>>) dst(%dma_wait3A_53 : memref<10240x128xf32, #tpu.memory_space<vmem_shared>>)
        tpu.yield
      }) : () -> ()
      %add3A_31 = arith.constant 2 : i32
      %add3A_32 = arith.addi %mul3A_27, %add3A_31 : i32
      %mul3A_33 = arith.constant 128 : i32
      %mul3A_34 = arith.muli %add3A_32, %mul3A_33 : i32
      %add3A_35 = arith.addi %mul3A_4, %mul3A_34 : i32
      %dma_start3A_36 = tpu.memref_slice %arg2[%add3A_35] : memref<335872xi32, #tpu.memory_space<hbm>> -> memref<128xi32, #tpu.memory_space<hbm>>
      %dma_start3A_37 = tpu.memref_slice %arg2[%add3A_35] : memref<335872xi32, #tpu.memory_space<hbm>> -> memref<128xi32, #tpu.memory_space<hbm>>
      tpu.enqueue_dma source(%dma_start3A_37 : memref<128xi32, #tpu.memory_space<hbm>>) target(%arg8 : memref<128xi32, #tpu.memory_space<vmem>>) target_semaphore(%arg10 : memref<!tpu.dma_semaphore, #tpu.memory_space<semaphore_mem>>)
      "tpu.region"() ({
        %run_scoped3A = tpu.sem_alloc : memref<!tpu.dma_semaphore, #tpu.memory_space<semaphore_mem>>
        %dma_start3A_48 = arith.constant 0 : i32
        %dma_start3A_49 = arith.constant 0 : i32
        %dma_start3A_50 = tpu.memref_slice %arg6[%dma_start3A_48, %dma_start3A_49] : memref<10240x128xf32, #tpu.memory_space<vmem_shared>> -> memref<10240x128xf32, #tpu.memory_space<vmem_shared>>
        tpu.enqueue_indirect_dma source(%arg7 : memref<128x128xf32, #tpu.memory_space<vmem>>) target(%dma_start3A_50 : memref<10240x128xf32, #tpu.memory_space<vmem_shared>>) offsets(%arg9 : memref<128xi32, #tpu.memory_space<vmem>>) semaphore(%run_scoped3A : memref<!tpu.dma_semaphore, #tpu.memory_space<semaphore_mem>>) {add = true}
        %dma_wait3A_51 = arith.constant 0 : i32
        %dma_wait3A_52 = arith.constant 0 : i32
        %dma_wait3A_53 = tpu.memref_slice %arg6[%dma_wait3A_51, %dma_wait3A_52] : memref<10240x128xf32, #tpu.memory_space<vmem_shared>> -> memref<10240x128xf32, #tpu.memory_space<vmem_shared>>
        tpu.wait_indirect_dma semaphore(%run_scoped3A : memref<!tpu.dma_semaphore, #tpu.memory_space<semaphore_mem>>) src(%arg7 : memref<128x128xf32, #tpu.memory_space<vmem>>) dst(%dma_wait3A_53 : memref<10240x128xf32, #tpu.memory_space<vmem_shared>>)
        tpu.yield
      }) : () -> ()
      %dma_wait3A_38 = arith.constant 0 : i32
      %dma_wait3A_39 = tpu.memref_slice %arg2[%dma_wait3A_38] : memref<335872xi32, #tpu.memory_space<hbm>> -> memref<128xi32, #tpu.memory_space<hbm>>
      %dma_wait3A_40 = tpu.memref_slice %arg2[%dma_wait3A_38] : memref<335872xi32, #tpu.memory_space<hbm>> -> memref<128xi32, #tpu.memory_space<hbm>>
      tpu.wait_dma2 semaphore(%arg10 : memref<!tpu.dma_semaphore, #tpu.memory_space<semaphore_mem>>) src(%dma_wait3A_40 : memref<128xi32, #tpu.memory_space<hbm>>) dst(%arg8 : memref<128xi32, #tpu.memory_space<vmem>>)
      %add3A_41 = arith.constant 3 : i32
      %add3A_42 = arith.addi %mul3A_27, %add3A_41 : i32
      %mul3A_43 = arith.constant 128 : i32
      %mul3A_44 = arith.muli %add3A_42, %mul3A_43 : i32
      %add3A_45 = arith.addi %mul3A_4, %mul3A_44 : i32
      %dma_start3A_46 = tpu.memref_slice %arg2[%add3A_45] : memref<335872xi32, #tpu.memory_space<hbm>> -> memref<128xi32, #tpu.memory_space<hbm>>
      %dma_start3A_47 = tpu.memref_slice %arg2[%add3A_45] : memref<335872xi32, #tpu.memory_space<hbm>> -> memref<128xi32, #tpu.memory_space<hbm>>
      tpu.enqueue_dma source(%dma_start3A_47 : memref<128xi32, #tpu.memory_space<hbm>>) target(%arg9 : memref<128xi32, #tpu.memory_space<vmem>>) target_semaphore(%arg10 : memref<!tpu.dma_semaphore, #tpu.memory_space<semaphore_mem>>)
    }
    %while3A_17 = arith.constant 1 : i32
    scf.for %while3A_25 = %while3A_15 to %while3A_11 step %while3A_17  : i32 {
      %mul3A_26 = arith.constant 2 : i32
      %mul3A_27 = arith.muli %mul3A_26, %while3A_25 : i32
      %dma_wait3A_28 = arith.constant 0 : i32
      %dma_wait3A_29 = tpu.memref_slice %arg2[%dma_wait3A_28] : memref<335872xi32, #tpu.memory_space<hbm>> -> memref<128xi32, #tpu.memory_space<hbm>>
      %dma_wait3A_30 = tpu.memref_slice %arg2[%dma_wait3A_28] : memref<335872xi32, #tpu.memory_space<hbm>> -> memref<128xi32, #tpu.memory_space<hbm>>
      tpu.wait_dma2 semaphore(%arg10 : memref<!tpu.dma_semaphore, #tpu.memory_space<semaphore_mem>>) src(%dma_wait3A_30 : memref<128xi32, #tpu.memory_space<hbm>>) dst(%arg9 : memref<128xi32, #tpu.memory_space<vmem>>)
      "tpu.region"() ({
        %run_scoped3A = tpu.sem_alloc : memref<!tpu.dma_semaphore, #tpu.memory_space<semaphore_mem>>
        %dma_start3A_48 = arith.constant 0 : i32
        %dma_start3A_49 = arith.constant 0 : i32
        %dma_start3A_50 = tpu.memref_slice %arg6[%dma_start3A_48, %dma_start3A_49] : memref<10240x128xf32, #tpu.memory_space<vmem_shared>> -> memref<10240x128xf32, #tpu.memory_space<vmem_shared>>
        tpu.enqueue_indirect_dma source(%arg7 : memref<128x128xf32, #tpu.memory_space<vmem>>) target(%dma_start3A_50 : memref<10240x128xf32, #tpu.memory_space<vmem_shared>>) offsets(%arg8 : memref<128xi32, #tpu.memory_space<vmem>>) semaphore(%run_scoped3A : memref<!tpu.dma_semaphore, #tpu.memory_space<semaphore_mem>>) {add = true}
        %dma_wait3A_51 = arith.constant 0 : i32
        %dma_wait3A_52 = arith.constant 0 : i32
        %dma_wait3A_53 = tpu.memref_slice %arg6[%dma_wait3A_51, %dma_wait3A_52] : memref<10240x128xf32, #tpu.memory_space<vmem_shared>> -> memref<10240x128xf32, #tpu.memory_space<vmem_shared>>
        tpu.wait_indirect_dma semaphore(%run_scoped3A : memref<!tpu.dma_semaphore, #tpu.memory_space<semaphore_mem>>) src(%arg7 : memref<128x128xf32, #tpu.memory_space<vmem>>) dst(%dma_wait3A_53 : memref<10240x128xf32, #tpu.memory_space<vmem_shared>>)
        tpu.yield
      }) : () -> ()
      %add3A_31 = arith.constant 2 : i32
      %add3A_32 = arith.addi %mul3A_27, %add3A_31 : i32
      %mul3A_33 = arith.constant 128 : i32
      %mul3A_34 = arith.muli %add3A_32, %mul3A_33 : i32
      %add3A_35 = arith.addi %mul3A_4, %mul3A_34 : i32
      %dma_start3A_36 = tpu.memref_slice %arg2[%add3A_35] : memref<335872xi32, #tpu.memory_space<hbm>> -> memref<128xi32, #tpu.memory_space<hbm>>
      %dma_start3A_37 = tpu.memref_slice %arg2[%add3A_35] : memref<335872xi32, #tpu.memory_space<hbm>> -> memref<128xi32, #tpu.memory_space<hbm>>
      tpu.enqueue_dma source(%dma_start3A_37 : memref<128xi32, #tpu.memory_space<hbm>>) target(%arg8 : memref<128xi32, #tpu.memory_space<vmem>>) target_semaphore(%arg10 : memref<!tpu.dma_semaphore, #tpu.memory_space<semaphore_mem>>)
      "tpu.region"() ({
        %run_scoped3A = tpu.sem_alloc : memref<!tpu.dma_semaphore, #tpu.memory_space<semaphore_mem>>
        %dma_start3A_48 = arith.constant 0 : i32
        %dma_start3A_49 = arith.constant 0 : i32
        %dma_start3A_50 = tpu.memref_slice %arg6[%dma_start3A_48, %dma_start3A_49] : memref<10240x128xf32, #tpu.memory_space<vmem_shared>> -> memref<10240x128xf32, #tpu.memory_space<vmem_shared>>
        tpu.enqueue_indirect_dma source(%arg7 : memref<128x128xf32, #tpu.memory_space<vmem>>) target(%dma_start3A_50 : memref<10240x128xf32, #tpu.memory_space<vmem_shared>>) offsets(%arg9 : memref<128xi32, #tpu.memory_space<vmem>>) semaphore(%run_scoped3A : memref<!tpu.dma_semaphore, #tpu.memory_space<semaphore_mem>>) {add = true}
        %dma_wait3A_51 = arith.constant 0 : i32
        %dma_wait3A_52 = arith.constant 0 : i32
        %dma_wait3A_53 = tpu.memref_slice %arg6[%dma_wait3A_51, %dma_wait3A_52] : memref<10240x128xf32, #tpu.memory_space<vmem_shared>> -> memref<10240x128xf32, #tpu.memory_space<vmem_shared>>
        tpu.wait_indirect_dma semaphore(%run_scoped3A : memref<!tpu.dma_semaphore, #tpu.memory_space<semaphore_mem>>) src(%arg7 : memref<128x128xf32, #tpu.memory_space<vmem>>) dst(%dma_wait3A_53 : memref<10240x128xf32, #tpu.memory_space<vmem_shared>>)
        tpu.yield
      }) : () -> ()
      %dma_wait3A_38 = arith.constant 0 : i32
      %dma_wait3A_39 = tpu.memref_slice %arg2[%dma_wait3A_38] : memref<335872xi32, #tpu.memory_space<hbm>> -> memref<128xi32, #tpu.memory_space<hbm>>
      %dma_wait3A_40 = tpu.memref_slice %arg2[%dma_wait3A_38] : memref<335872xi32, #tpu.memory_space<hbm>> -> memref<128xi32, #tpu.memory_space<hbm>>
      tpu.wait_dma2 semaphore(%arg10 : memref<!tpu.dma_semaphore, #tpu.memory_space<semaphore_mem>>) src(%dma_wait3A_40 : memref<128xi32, #tpu.memory_space<hbm>>) dst(%arg8 : memref<128xi32, #tpu.memory_space<vmem>>)
      %add3A_41 = arith.constant 3 : i32
      %add3A_42 = arith.addi %mul3A_27, %add3A_41 : i32
      %mul3A_43 = arith.constant 128 : i32
      %mul3A_44 = arith.muli %add3A_42, %mul3A_43 : i32
      %add3A_45 = arith.addi %mul3A_4, %mul3A_44 : i32
      %dma_start3A_46 = tpu.memref_slice %arg2[%add3A_45] : memref<335872xi32, #tpu.memory_space<hbm>> -> memref<128xi32, #tpu.memory_space<hbm>>
      %dma_start3A_47 = tpu.memref_slice %arg2[%add3A_45] : memref<335872xi32, #tpu.memory_space<hbm>> -> memref<128xi32, #tpu.memory_space<hbm>>
      tpu.enqueue_dma source(%dma_start3A_47 : memref<128xi32, #tpu.memory_space<hbm>>) target(%arg9 : memref<128xi32, #tpu.memory_space<vmem>>) target_semaphore(%arg10 : memref<!tpu.dma_semaphore, #tpu.memory_space<semaphore_mem>>)
    }
    %dma_wait3A = arith.constant 0 : i32
    %dma_wait3A_18 = tpu.memref_slice %arg2[%dma_wait3A] : memref<335872xi32, #tpu.memory_space<hbm>> -> memref<128xi32, #tpu.memory_space<hbm>>
    %dma_wait3A_19 = tpu.memref_slice %arg2[%dma_wait3A] : memref<335872xi32, #tpu.memory_space<hbm>> -> memref<128xi32, #tpu.memory_space<hbm>>
    tpu.wait_dma2 semaphore(%arg10 : memref<!tpu.dma_semaphore, #tpu.memory_space<semaphore_mem>>) src(%dma_wait3A_19 : memref<128xi32, #tpu.memory_space<hbm>>) dst(%arg9 : memref<128xi32, #tpu.memory_space<vmem>>)
    %barrier3A_20 = arith.constant 0 : index
    tpu.barrier barrier_id(%barrier3A_20)
    %mul3A_21 = arith.constant 640 : i32
    %mul3A_22 = arith.muli %arg1, %mul3A_21 : i32
    %mul3A_23 = arith.constant 640 : i32
    %mul3A_24 = arith.muli %arg1, %mul3A_23 : i32
    "tpu.region"() ({
      %run_scoped3A = tpu.sem_alloc : memref<!tpu.dma_semaphore, #tpu.memory_space<semaphore_mem>>
      %dma_start3A_25 = arith.constant 0 : i32
      %dma_start3A_26 = arith.constant 0 : i32
      %dma_start3A_27 = tpu.memref_slice %arg5[%arg0, %dma_start3A_25, %dma_start3A_26] : memref<2x10240x128xf32, #tpu.memory_space<hbm>> -> memref<1x10240x128xf32, #tpu.memory_space<hbm>>
      %dma_start3A_28 = tpu.memref_squeeze %dma_start3A_27 : memref<1x10240x128xf32, #tpu.memory_space<hbm>> -> memref<10240x128xf32, #tpu.memory_space<hbm>>
      %dma_start3A_29 = arith.constant 0 : i32
      %dma_start3A_30 = tpu.memref_slice %dma_start3A_28[%mul3A_24, %dma_start3A_29] : memref<10240x128xf32, #tpu.memory_space<hbm>> -> memref<640x128xf32, #tpu.memory_space<hbm>>
      %dma_start3A_31 = arith.constant 0 : i32
      %dma_start3A_32 = tpu.memref_slice %arg6[%mul3A_22, %dma_start3A_31] : memref<10240x128xf32, #tpu.memory_space<vmem_shared>> -> memref<640x128xf32, #tpu.memory_space<vmem_shared>>
      tpu.enqueue_dma source(%dma_start3A_32 : memref<640x128xf32, #tpu.memory_space<vmem_shared>>) target(%dma_start3A_30 : memref<640x128xf32, #tpu.memory_space<hbm>>) target_semaphore(%run_scoped3A : memref<!tpu.dma_semaphore, #tpu.memory_space<semaphore_mem>>)
      %dma_wait3A_33 = arith.constant 0 : i32
      %dma_wait3A_34 = arith.constant 0 : i32
      %dma_wait3A_35 = tpu.memref_slice %arg5[%arg0, %dma_wait3A_33, %dma_wait3A_34] : memref<2x10240x128xf32, #tpu.memory_space<hbm>> -> memref<1x10240x128xf32, #tpu.memory_space<hbm>>
      %dma_wait3A_36 = tpu.memref_squeeze %dma_wait3A_35 : memref<1x10240x128xf32, #tpu.memory_space<hbm>> -> memref<10240x128xf32, #tpu.memory_space<hbm>>
      %dma_wait3A_37 = arith.constant 0 : i32
      %dma_wait3A_38 = tpu.memref_slice %dma_wait3A_36[%mul3A_24, %dma_wait3A_37] : memref<10240x128xf32, #tpu.memory_space<hbm>> -> memref<640x128xf32, #tpu.memory_space<hbm>>
      %dma_wait3A_39 = arith.constant 0 : i32
      %dma_wait3A_40 = tpu.memref_slice %arg6[%mul3A_22, %dma_wait3A_39] : memref<10240x128xf32, #tpu.memory_space<vmem_shared>> -> memref<640x128xf32, #tpu.memory_space<vmem_shared>>
      tpu.wait_dma2 semaphore(%run_scoped3A : memref<!tpu.dma_semaphore, #tpu.memory_space<semaphore_mem>>) src(%dma_wait3A_40 : memref<640x128xf32, #tpu.memory_space<vmem_shared>>) dst(%dma_wait3A_38 : memref<640x128xf32, #tpu.memory_space<hbm>>)
      tpu.yield
    }) : () -> ()
    return
  }
}

#map = affine_map<(d0, d1) -> (0, 0)>
#map1 = affine_map<(d0, d1) -> (0)>
#map2 = affine_map<(d0, d1) -> (0, 0, 0)>
module attributes {stable_mosaic.version = 14 : i64} {
  func.func @_sc_segsum(%arg0: i32, %arg1: i32, %arg2: memref<10240x128xf32, #tpu.memory_space<hbm>>, %arg3: memref<335872xi32, #tpu.memory_space<hbm>>, %arg4: memref<335872xi32, #tpu.memory_space<hbm>>, %arg5: memref<640x128xf32, #tpu.memory_space<hbm>>, %arg6: memref<2x10240x128xf32, #tpu.memory_space<hbm>>, %arg7: memref<10240x128xf32, #tpu.memory_space<vmem_shared>>, %arg8: memref<128xi32, #tpu.memory_space<vmem>>, %arg9: memref<128xi32, #tpu.memory_space<vmem>>, %arg10: memref<128xi32, #tpu.memory_space<vmem>>, %arg11: memref<128xi32, #tpu.memory_space<vmem>>, %arg12: memref<128x128xf32, #tpu.memory_space<vmem>>, %arg13: memref<128x128xf32, #tpu.memory_space<vmem>>, %arg14: memref<!tpu.dma_semaphore, #tpu.memory_space<semaphore_mem>>, %arg15: memref<!tpu.dma_semaphore, #tpu.memory_space<semaphore_mem>>) attributes {dimension_semantics = [#tpu.dimension_semantics<core_parallel>, #tpu.dimension_semantics<subcore_parallel>], iteration_bounds = array<i64: 2, 16>, scalar_prefetch = 0 : i64, scratch_operands = 9 : i64, tpu.core_type = #tpu.core_type<sc_vector_subcore>, window_params = [{transform_indices = #map}, {transform_indices = #map1}, {transform_indices = #map1}, {transform_indices = #map}, {transform_indices = #map2}]} {
    %mul3A = arith.constant 2 : i32
    %mul3A_0 = arith.muli %arg1, %mul3A : i32
    %add3A = arith.addi %mul3A_0, %arg0 : i32
    %mul3A_1 = arith.constant 640 : i32
    %mul3A_2 = arith.muli %arg1, %mul3A_1 : i32
    "tpu.region"() ({
      %run_scoped3A = tpu.sem_alloc : memref<!tpu.dma_semaphore, #tpu.memory_space<semaphore_mem>>
      %dma_start3A_36 = arith.constant 0 : i32
      %dma_start3A_37 = tpu.memref_slice %arg7[%mul3A_2, %dma_start3A_36] : memref<10240x128xf32, #tpu.memory_space<vmem_shared>> -> memref<640x128xf32, #tpu.memory_space<vmem_shared>>
      tpu.enqueue_dma source(%arg5 : memref<640x128xf32, #tpu.memory_space<hbm>>) target(%dma_start3A_37 : memref<640x128xf32, #tpu.memory_space<vmem_shared>>) target_semaphore(%run_scoped3A : memref<!tpu.dma_semaphore, #tpu.memory_space<semaphore_mem>>)
      %dma_wait3A_38 = arith.constant 0 : i32
      %dma_wait3A_39 = tpu.memref_slice %arg7[%mul3A_2, %dma_wait3A_38] : memref<10240x128xf32, #tpu.memory_space<vmem_shared>> -> memref<640x128xf32, #tpu.memory_space<vmem_shared>>
      tpu.wait_dma2 semaphore(%run_scoped3A : memref<!tpu.dma_semaphore, #tpu.memory_space<semaphore_mem>>) src(%arg5 : memref<640x128xf32, #tpu.memory_space<hbm>>) dst(%dma_wait3A_39 : memref<640x128xf32, #tpu.memory_space<vmem_shared>>)
      tpu.yield
    }) : () -> ()
    %barrier3A = arith.constant 0 : index
    tpu.barrier barrier_id(%barrier3A)
    %mul3A_3 = arith.constant 10496 : i32
    %mul3A_4 = arith.muli %add3A, %mul3A_3 : i32
    "tpu.region"() ({
      %run_scoped3A = tpu.sem_alloc : memref<!tpu.dma_semaphore, #tpu.memory_space<semaphore_mem>>
      %dma_start3A_36 = tpu.memref_slice %arg3[%mul3A_4] : memref<335872xi32, #tpu.memory_space<hbm>> -> memref<128xi32, #tpu.memory_space<hbm>>
      %dma_start3A_37 = tpu.memref_slice %arg3[%mul3A_4] : memref<335872xi32, #tpu.memory_space<hbm>> -> memref<128xi32, #tpu.memory_space<hbm>>
      tpu.enqueue_dma source(%dma_start3A_37 : memref<128xi32, #tpu.memory_space<hbm>>) target(%arg8 : memref<128xi32, #tpu.memory_space<vmem>>) target_semaphore(%run_scoped3A : memref<!tpu.dma_semaphore, #tpu.memory_space<semaphore_mem>>)
      %dma_wait3A_38 = tpu.memref_slice %arg3[%mul3A_4] : memref<335872xi32, #tpu.memory_space<hbm>> -> memref<128xi32, #tpu.memory_space<hbm>>
      %dma_wait3A_39 = tpu.memref_slice %arg3[%mul3A_4] : memref<335872xi32, #tpu.memory_space<hbm>> -> memref<128xi32, #tpu.memory_space<hbm>>
      tpu.wait_dma2 semaphore(%run_scoped3A : memref<!tpu.dma_semaphore, #tpu.memory_space<semaphore_mem>>) src(%dma_wait3A_39 : memref<128xi32, #tpu.memory_space<hbm>>) dst(%arg8 : memref<128xi32, #tpu.memory_space<vmem>>)
      tpu.yield
    }) : () -> ()
    "tpu.region"() ({
      %run_scoped3A = tpu.sem_alloc : memref<!tpu.dma_semaphore, #tpu.memory_space<semaphore_mem>>
      %dma_start3A_36 = tpu.memref_slice %arg4[%mul3A_4] : memref<335872xi32, #tpu.memory_space<hbm>> -> memref<128xi32, #tpu.memory_space<hbm>>
      %dma_start3A_37 = tpu.memref_slice %arg4[%mul3A_4] : memref<335872xi32, #tpu.memory_space<hbm>> -> memref<128xi32, #tpu.memory_space<hbm>>
      tpu.enqueue_dma source(%dma_start3A_37 : memref<128xi32, #tpu.memory_space<hbm>>) target(%arg10 : memref<128xi32, #tpu.memory_space<vmem>>) target_semaphore(%run_scoped3A : memref<!tpu.dma_semaphore, #tpu.memory_space<semaphore_mem>>)
      %dma_wait3A_38 = tpu.memref_slice %arg4[%mul3A_4] : memref<335872xi32, #tpu.memory_space<hbm>> -> memref<128xi32, #tpu.memory_space<hbm>>
      %dma_wait3A_39 = tpu.memref_slice %arg4[%mul3A_4] : memref<335872xi32, #tpu.memory_space<hbm>> -> memref<128xi32, #tpu.memory_space<hbm>>
      tpu.wait_dma2 semaphore(%run_scoped3A : memref<!tpu.dma_semaphore, #tpu.memory_space<semaphore_mem>>) src(%dma_wait3A_39 : memref<128xi32, #tpu.memory_space<hbm>>) dst(%arg10 : memref<128xi32, #tpu.memory_space<vmem>>)
      tpu.yield
    }) : () -> ()
    %mul3A_5 = arith.constant 1 : i32
    %mul3A_6 = arith.constant 128 : i32
    %mul3A_7 = arith.muli %mul3A_5, %mul3A_6 : i32
    %add3A_8 = arith.addi %mul3A_4, %mul3A_7 : i32
    %dma_start3A = tpu.memref_slice %arg3[%add3A_8] : memref<335872xi32, #tpu.memory_space<hbm>> -> memref<128xi32, #tpu.memory_space<hbm>>
    %dma_start3A_9 = tpu.memref_slice %arg3[%add3A_8] : memref<335872xi32, #tpu.memory_space<hbm>> -> memref<128xi32, #tpu.memory_space<hbm>>
    tpu.enqueue_dma source(%dma_start3A_9 : memref<128xi32, #tpu.memory_space<hbm>>) target(%arg9 : memref<128xi32, #tpu.memory_space<vmem>>) target_semaphore(%arg15 : memref<!tpu.dma_semaphore, #tpu.memory_space<semaphore_mem>>)
    %mul3A_10 = arith.constant 1 : i32
    %mul3A_11 = arith.constant 128 : i32
    %mul3A_12 = arith.muli %mul3A_10, %mul3A_11 : i32
    %add3A_13 = arith.addi %mul3A_4, %mul3A_12 : i32
    %dma_start3A_14 = tpu.memref_slice %arg4[%add3A_13] : memref<335872xi32, #tpu.memory_space<hbm>> -> memref<128xi32, #tpu.memory_space<hbm>>
    %dma_start3A_15 = tpu.memref_slice %arg4[%add3A_13] : memref<335872xi32, #tpu.memory_space<hbm>> -> memref<128xi32, #tpu.memory_space<hbm>>
    tpu.enqueue_dma source(%dma_start3A_15 : memref<128xi32, #tpu.memory_space<hbm>>) target(%arg11 : memref<128xi32, #tpu.memory_space<vmem>>) target_semaphore(%arg15 : memref<!tpu.dma_semaphore, #tpu.memory_space<semaphore_mem>>)
    %while3A = arith.constant 0 : i32
    %while3A_16 = arith.constant 0 : i32
    %while3A_17 = arith.constant 40 : i32
    %while3A_18 = arith.subi %while3A_17, %while3A_16 : i32
    %while3A_19 = arith.addi %while3A_16, %while3A_18 : i32
    %while3A_20 = arith.constant 1 : i32
    %while3A_21 = arith.divsi %while3A_18, %while3A_20 : i32
    %while3A_22 = arith.muli %while3A_21, %while3A_20 : i32
    %while3A_23 = arith.addi %while3A_16, %while3A_22 : i32
    %while3A_24 = arith.constant 1 : i32
    scf.for %while3A_36 = %while3A_16 to %while3A_23 step %while3A_24  : i32 {
      %mul3A_37 = arith.constant 2 : i32
      %mul3A_38 = arith.muli %mul3A_37, %while3A_36 : i32
      %dma_start3A_39 = arith.constant 0 : i32
      %dma_start3A_40 = arith.constant 0 : i32
      %dma_start3A_41 = tpu.memref_slice %arg2[%dma_start3A_39, %dma_start3A_40] : memref<10240x128xf32, #tpu.memory_space<hbm>> -> memref<10240x128xf32, #tpu.memory_space<hbm>>
      tpu.enqueue_indirect_dma source(%dma_start3A_41 : memref<10240x128xf32, #tpu.memory_space<hbm>>) target(%arg12 : memref<128x128xf32, #tpu.memory_space<vmem>>) offsets(%arg8 : memref<128xi32, #tpu.memory_space<vmem>>) semaphore(%arg14 : memref<!tpu.dma_semaphore, #tpu.memory_space<semaphore_mem>>)
      %dma_wait3A_42 = arith.constant 0 : i32
      %dma_wait3A_43 = arith.constant 0 : i32
      %dma_wait3A_44 = tpu.memref_slice %arg2[%dma_wait3A_42, %dma_wait3A_43] : memref<10240x128xf32, #tpu.memory_space<hbm>> -> memref<10240x128xf32, #tpu.memory_space<hbm>>
      tpu.wait_indirect_dma semaphore(%arg14 : memref<!tpu.dma_semaphore, #tpu.memory_space<semaphore_mem>>) src(%dma_wait3A_44 : memref<10240x128xf32, #tpu.memory_space<hbm>>) dst(%arg12 : memref<128x128xf32, #tpu.memory_space<vmem>>)
      "tpu.region"() ({
        %run_scoped3A = tpu.sem_alloc : memref<!tpu.dma_semaphore, #tpu.memory_space<semaphore_mem>>
        %dma_start3A_87 = arith.constant 0 : i32
        %dma_start3A_88 = arith.constant 0 : i32
        %dma_start3A_89 = tpu.memref_slice %arg7[%dma_start3A_87, %dma_start3A_88] : memref<10240x128xf32, #tpu.memory_space<vmem_shared>> -> memref<10240x128xf32, #tpu.memory_space<vmem_shared>>
        tpu.enqueue_indirect_dma source(%arg12 : memref<128x128xf32, #tpu.memory_space<vmem>>) target(%dma_start3A_89 : memref<10240x128xf32, #tpu.memory_space<vmem_shared>>) offsets(%arg10 : memref<128xi32, #tpu.memory_space<vmem>>) semaphore(%run_scoped3A : memref<!tpu.dma_semaphore, #tpu.memory_space<semaphore_mem>>) {add = true}
        %dma_wait3A_90 = arith.constant 0 : i32
        %dma_wait3A_91 = arith.constant 0 : i32
        %dma_wait3A_92 = tpu.memref_slice %arg7[%dma_wait3A_90, %dma_wait3A_91] : memref<10240x128xf32, #tpu.memory_space<vmem_shared>> -> memref<10240x128xf32, #tpu.memory_space<vmem_shared>>
        tpu.wait_indirect_dma semaphore(%run_scoped3A : memref<!tpu.dma_semaphore, #tpu.memory_space<semaphore_mem>>) src(%arg12 : memref<128x128xf32, #tpu.memory_space<vmem>>) dst(%dma_wait3A_92 : memref<10240x128xf32, #tpu.memory_space<vmem_shared>>)
        tpu.yield
      }) : () -> ()
      %dma_wait3A_45 = arith.constant 0 : i32
      %dma_wait3A_46 = tpu.memref_slice %arg3[%dma_wait3A_45] : memref<335872xi32, #tpu.memory_space<hbm>> -> memref<128xi32, #tpu.memory_space<hbm>>
      %dma_wait3A_47 = tpu.memref_slice %arg3[%dma_wait3A_45] : memref<335872xi32, #tpu.memory_space<hbm>> -> memref<128xi32, #tpu.memory_space<hbm>>
      tpu.wait_dma2 semaphore(%arg15 : memref<!tpu.dma_semaphore, #tpu.memory_space<semaphore_mem>>) src(%dma_wait3A_47 : memref<128xi32, #tpu.memory_space<hbm>>) dst(%arg9 : memref<128xi32, #tpu.memory_space<vmem>>)
      %dma_wait3A_48 = arith.constant 0 : i32
      %dma_wait3A_49 = tpu.memref_slice %arg3[%dma_wait3A_48] : memref<335872xi32, #tpu.memory_space<hbm>> -> memref<128xi32, #tpu.memory_space<hbm>>
      %dma_wait3A_50 = tpu.memref_slice %arg3[%dma_wait3A_48] : memref<335872xi32, #tpu.memory_space<hbm>> -> memref<128xi32, #tpu.memory_space<hbm>>
      tpu.wait_dma2 semaphore(%arg15 : memref<!tpu.dma_semaphore, #tpu.memory_space<semaphore_mem>>) src(%dma_wait3A_50 : memref<128xi32, #tpu.memory_space<hbm>>) dst(%arg11 : memref<128xi32, #tpu.memory_space<vmem>>)
      %add3A_51 = arith.constant 2 : i32
      %add3A_52 = arith.addi %mul3A_38, %add3A_51 : i32
      %mul3A_53 = arith.constant 128 : i32
      %mul3A_54 = arith.muli %add3A_52, %mul3A_53 : i32
      %add3A_55 = arith.addi %mul3A_4, %mul3A_54 : i32
      %dma_start3A_56 = tpu.memref_slice %arg3[%add3A_55] : memref<335872xi32, #tpu.memory_space<hbm>> -> memref<128xi32, #tpu.memory_space<hbm>>
      %dma_start3A_57 = tpu.memref_slice %arg3[%add3A_55] : memref<335872xi32, #tpu.memory_space<hbm>> -> memref<128xi32, #tpu.memory_space<hbm>>
      tpu.enqueue_dma source(%dma_start3A_57 : memref<128xi32, #tpu.memory_space<hbm>>) target(%arg8 : memref<128xi32, #tpu.memory_space<vmem>>) target_semaphore(%arg15 : memref<!tpu.dma_semaphore, #tpu.memory_space<semaphore_mem>>)
      %mul3A_58 = arith.constant 128 : i32
      %mul3A_59 = arith.muli %add3A_52, %mul3A_58 : i32
      %add3A_60 = arith.addi %mul3A_4, %mul3A_59 : i32
      %dma_start3A_61 = tpu.memref_slice %arg4[%add3A_60] : memref<335872xi32, #tpu.memory_space<hbm>> -> memref<128xi32, #tpu.memory_space<hbm>>
      %dma_start3A_62 = tpu.memref_slice %arg4[%add3A_60] : memref<335872xi32, #tpu.memory_space<hbm>> -> memref<128xi32, #tpu.memory_space<hbm>>
      tpu.enqueue_dma source(%dma_start3A_62 : memref<128xi32, #tpu.memory_space<hbm>>) target(%arg10 : memref<128xi32, #tpu.memory_space<vmem>>) target_semaphore(%arg15 : memref<!tpu.dma_semaphore, #tpu.memory_space<semaphore_mem>>)
      %dma_start3A_63 = arith.constant 0 : i32
      %dma_start3A_64 = arith.constant 0 : i32
      %dma_start3A_65 = tpu.memref_slice %arg2[%dma_start3A_63, %dma_start3A_64] : memref<10240x128xf32, #tpu.memory_space<hbm>> -> memref<10240x128xf32, #tpu.memory_space<hbm>>
      tpu.enqueue_indirect_dma source(%dma_start3A_65 : memref<10240x128xf32, #tpu.memory_space<hbm>>) target(%arg13 : memref<128x128xf32, #tpu.memory_space<vmem>>) offsets(%arg9 : memref<128xi32, #tpu.memory_space<vmem>>) semaphore(%arg14 : memref<!tpu.dma_semaphore, #tpu.memory_space<semaphore_mem>>)
      %dma_wait3A_66 = arith.constant 0 : i32
      %dma_wait3A_67 = arith.constant 0 : i32
      %dma_wait3A_68 = tpu.memref_slice %arg2[%dma_wait3A_66, %dma_wait3A_67] : memref<10240x128xf32, #tpu.memory_space<hbm>> -> memref<10240x128xf32, #tpu.memory_space<hbm>>
      tpu.wait_indirect_dma semaphore(%arg14 : memref<!tpu.dma_semaphore, #tpu.memory_space<semaphore_mem>>) src(%dma_wait3A_68 : memref<10240x128xf32, #tpu.memory_space<hbm>>) dst(%arg13 : memref<128x128xf32, #tpu.memory_space<vmem>>)
      "tpu.region"() ({
        %run_scoped3A = tpu.sem_alloc : memref<!tpu.dma_semaphore, #tpu.memory_space<semaphore_mem>>
        %dma_start3A_87 = arith.constant 0 : i32
        %dma_start3A_88 = arith.constant 0 : i32
        %dma_start3A_89 = tpu.memref_slice %arg7[%dma_start3A_87, %dma_start3A_88] : memref<10240x128xf32, #tpu.memory_space<vmem_shared>> -> memref<10240x128xf32, #tpu.memory_space<vmem_shared>>
        tpu.enqueue_indirect_dma source(%arg13 : memref<128x128xf32, #tpu.memory_space<vmem>>) target(%dma_start3A_89 : memref<10240x128xf32, #tpu.memory_space<vmem_shared>>) offsets(%arg11 : memref<128xi32, #tpu.memory_space<vmem>>) semaphore(%run_scoped3A : memref<!tpu.dma_semaphore, #tpu.memory_space<semaphore_mem>>) {add = true}
        %dma_wait3A_90 = arith.constant 0 : i32
        %dma_wait3A_91 = arith.constant 0 : i32
        %dma_wait3A_92 = tpu.memref_slice %arg7[%dma_wait3A_90, %dma_wait3A_91] : memref<10240x128xf32, #tpu.memory_space<vmem_shared>> -> memref<10240x128xf32, #tpu.memory_space<vmem_shared>>
        tpu.wait_indirect_dma semaphore(%run_scoped3A : memref<!tpu.dma_semaphore, #tpu.memory_space<semaphore_mem>>) src(%arg13 : memref<128x128xf32, #tpu.memory_space<vmem>>) dst(%dma_wait3A_92 : memref<10240x128xf32, #tpu.memory_space<vmem_shared>>)
        tpu.yield
      }) : () -> ()
      %dma_wait3A_69 = arith.constant 0 : i32
      %dma_wait3A_70 = tpu.memref_slice %arg3[%dma_wait3A_69] : memref<335872xi32, #tpu.memory_space<hbm>> -> memref<128xi32, #tpu.memory_space<hbm>>
      %dma_wait3A_71 = tpu.memref_slice %arg3[%dma_wait3A_69] : memref<335872xi32, #tpu.memory_space<hbm>> -> memref<128xi32, #tpu.memory_space<hbm>>
      tpu.wait_dma2 semaphore(%arg15 : memref<!tpu.dma_semaphore, #tpu.memory_space<semaphore_mem>>) src(%dma_wait3A_71 : memref<128xi32, #tpu.memory_space<hbm>>) dst(%arg8 : memref<128xi32, #tpu.memory_space<vmem>>)
      %dma_wait3A_72 = arith.constant 0 : i32
      %dma_wait3A_73 = tpu.memref_slice %arg3[%dma_wait3A_72] : memref<335872xi32, #tpu.memory_space<hbm>> -> memref<128xi32, #tpu.memory_space<hbm>>
      %dma_wait3A_74 = tpu.memref_slice %arg3[%dma_wait3A_72] : memref<335872xi32, #tpu.memory_space<hbm>> -> memref<128xi32, #tpu.memory_space<hbm>>
      tpu.wait_dma2 semaphore(%arg15 : memref<!tpu.dma_semaphore, #tpu.memory_space<semaphore_mem>>) src(%dma_wait3A_74 : memref<128xi32, #tpu.memory_space<hbm>>) dst(%arg10 : memref<128xi32, #tpu.memory_space<vmem>>)
      %add3A_75 = arith.constant 3 : i32
      %add3A_76 = arith.addi %mul3A_38, %add3A_75 : i32
      %mul3A_77 = arith.constant 128 : i32
      %mul3A_78 = arith.muli %add3A_76, %mul3A_77 : i32
      %add3A_79 = arith.addi %mul3A_4, %mul3A_78 : i32
      %dma_start3A_80 = tpu.memref_slice %arg3[%add3A_79] : memref<335872xi32, #tpu.memory_space<hbm>> -> memref<128xi32, #tpu.memory_space<hbm>>
      %dma_start3A_81 = tpu.memref_slice %arg3[%add3A_79] : memref<335872xi32, #tpu.memory_space<hbm>> -> memref<128xi32, #tpu.memory_space<hbm>>
      tpu.enqueue_dma source(%dma_start3A_81 : memref<128xi32, #tpu.memory_space<hbm>>) target(%arg9 : memref<128xi32, #tpu.memory_space<vmem>>) target_semaphore(%arg15 : memref<!tpu.dma_semaphore, #tpu.memory_space<semaphore_mem>>)
      %mul3A_82 = arith.constant 128 : i32
      %mul3A_83 = arith.muli %add3A_76, %mul3A_82 : i32
      %add3A_84 = arith.addi %mul3A_4, %mul3A_83 : i32
      %dma_start3A_85 = tpu.memref_slice %arg4[%add3A_84] : memref<335872xi32, #tpu.memory_space<hbm>> -> memref<128xi32, #tpu.memory_space<hbm>>
      %dma_start3A_86 = tpu.memref_slice %arg4[%add3A_84] : memref<335872xi32, #tpu.memory_space<hbm>> -> memref<128xi32, #tpu.memory_space<hbm>>
      tpu.enqueue_dma source(%dma_start3A_86 : memref<128xi32, #tpu.memory_space<hbm>>) target(%arg11 : memref<128xi32, #tpu.memory_space<vmem>>) target_semaphore(%arg15 : memref<!tpu.dma_semaphore, #tpu.memory_space<semaphore_mem>>)
    }
    %while3A_25 = arith.constant 1 : i32
    scf.for %while3A_36 = %while3A_23 to %while3A_19 step %while3A_25  : i32 {
      %mul3A_37 = arith.constant 2 : i32
      %mul3A_38 = arith.muli %mul3A_37, %while3A_36 : i32
      %dma_start3A_39 = arith.constant 0 : i32
      %dma_start3A_40 = arith.constant 0 : i32
      %dma_start3A_41 = tpu.memref_slice %arg2[%dma_start3A_39, %dma_start3A_40] : memref<10240x128xf32, #tpu.memory_space<hbm>> -> memref<10240x128xf32, #tpu.memory_space<hbm>>
      tpu.enqueue_indirect_dma source(%dma_start3A_41 : memref<10240x128xf32, #tpu.memory_space<hbm>>) target(%arg12 : memref<128x128xf32, #tpu.memory_space<vmem>>) offsets(%arg8 : memref<128xi32, #tpu.memory_space<vmem>>) semaphore(%arg14 : memref<!tpu.dma_semaphore, #tpu.memory_space<semaphore_mem>>)
      %dma_wait3A_42 = arith.constant 0 : i32
      %dma_wait3A_43 = arith.constant 0 : i32
      %dma_wait3A_44 = tpu.memref_slice %arg2[%dma_wait3A_42, %dma_wait3A_43] : memref<10240x128xf32, #tpu.memory_space<hbm>> -> memref<10240x128xf32, #tpu.memory_space<hbm>>
      tpu.wait_indirect_dma semaphore(%arg14 : memref<!tpu.dma_semaphore, #tpu.memory_space<semaphore_mem>>) src(%dma_wait3A_44 : memref<10240x128xf32, #tpu.memory_space<hbm>>) dst(%arg12 : memref<128x128xf32, #tpu.memory_space<vmem>>)
      "tpu.region"() ({
        %run_scoped3A = tpu.sem_alloc : memref<!tpu.dma_semaphore, #tpu.memory_space<semaphore_mem>>
        %dma_start3A_87 = arith.constant 0 : i32
        %dma_start3A_88 = arith.constant 0 : i32
        %dma_start3A_89 = tpu.memref_slice %arg7[%dma_start3A_87, %dma_start3A_88] : memref<10240x128xf32, #tpu.memory_space<vmem_shared>> -> memref<10240x128xf32, #tpu.memory_space<vmem_shared>>
        tpu.enqueue_indirect_dma source(%arg12 : memref<128x128xf32, #tpu.memory_space<vmem>>) target(%dma_start3A_89 : memref<10240x128xf32, #tpu.memory_space<vmem_shared>>) offsets(%arg10 : memref<128xi32, #tpu.memory_space<vmem>>) semaphore(%run_scoped3A : memref<!tpu.dma_semaphore, #tpu.memory_space<semaphore_mem>>) {add = true}
        %dma_wait3A_90 = arith.constant 0 : i32
        %dma_wait3A_91 = arith.constant 0 : i32
        %dma_wait3A_92 = tpu.memref_slice %arg7[%dma_wait3A_90, %dma_wait3A_91] : memref<10240x128xf32, #tpu.memory_space<vmem_shared>> -> memref<10240x128xf32, #tpu.memory_space<vmem_shared>>
        tpu.wait_indirect_dma semaphore(%run_scoped3A : memref<!tpu.dma_semaphore, #tpu.memory_space<semaphore_mem>>) src(%arg12 : memref<128x128xf32, #tpu.memory_space<vmem>>) dst(%dma_wait3A_92 : memref<10240x128xf32, #tpu.memory_space<vmem_shared>>)
        tpu.yield
      }) : () -> ()
      %dma_wait3A_45 = arith.constant 0 : i32
      %dma_wait3A_46 = tpu.memref_slice %arg3[%dma_wait3A_45] : memref<335872xi32, #tpu.memory_space<hbm>> -> memref<128xi32, #tpu.memory_space<hbm>>
      %dma_wait3A_47 = tpu.memref_slice %arg3[%dma_wait3A_45] : memref<335872xi32, #tpu.memory_space<hbm>> -> memref<128xi32, #tpu.memory_space<hbm>>
      tpu.wait_dma2 semaphore(%arg15 : memref<!tpu.dma_semaphore, #tpu.memory_space<semaphore_mem>>) src(%dma_wait3A_47 : memref<128xi32, #tpu.memory_space<hbm>>) dst(%arg9 : memref<128xi32, #tpu.memory_space<vmem>>)
      %dma_wait3A_48 = arith.constant 0 : i32
      %dma_wait3A_49 = tpu.memref_slice %arg3[%dma_wait3A_48] : memref<335872xi32, #tpu.memory_space<hbm>> -> memref<128xi32, #tpu.memory_space<hbm>>
      %dma_wait3A_50 = tpu.memref_slice %arg3[%dma_wait3A_48] : memref<335872xi32, #tpu.memory_space<hbm>> -> memref<128xi32, #tpu.memory_space<hbm>>
      tpu.wait_dma2 semaphore(%arg15 : memref<!tpu.dma_semaphore, #tpu.memory_space<semaphore_mem>>) src(%dma_wait3A_50 : memref<128xi32, #tpu.memory_space<hbm>>) dst(%arg11 : memref<128xi32, #tpu.memory_space<vmem>>)
      %add3A_51 = arith.constant 2 : i32
      %add3A_52 = arith.addi %mul3A_38, %add3A_51 : i32
      %mul3A_53 = arith.constant 128 : i32
      %mul3A_54 = arith.muli %add3A_52, %mul3A_53 : i32
      %add3A_55 = arith.addi %mul3A_4, %mul3A_54 : i32
      %dma_start3A_56 = tpu.memref_slice %arg3[%add3A_55] : memref<335872xi32, #tpu.memory_space<hbm>> -> memref<128xi32, #tpu.memory_space<hbm>>
      %dma_start3A_57 = tpu.memref_slice %arg3[%add3A_55] : memref<335872xi32, #tpu.memory_space<hbm>> -> memref<128xi32, #tpu.memory_space<hbm>>
      tpu.enqueue_dma source(%dma_start3A_57 : memref<128xi32, #tpu.memory_space<hbm>>) target(%arg8 : memref<128xi32, #tpu.memory_space<vmem>>) target_semaphore(%arg15 : memref<!tpu.dma_semaphore, #tpu.memory_space<semaphore_mem>>)
      %mul3A_58 = arith.constant 128 : i32
      %mul3A_59 = arith.muli %add3A_52, %mul3A_58 : i32
      %add3A_60 = arith.addi %mul3A_4, %mul3A_59 : i32
      %dma_start3A_61 = tpu.memref_slice %arg4[%add3A_60] : memref<335872xi32, #tpu.memory_space<hbm>> -> memref<128xi32, #tpu.memory_space<hbm>>
      %dma_start3A_62 = tpu.memref_slice %arg4[%add3A_60] : memref<335872xi32, #tpu.memory_space<hbm>> -> memref<128xi32, #tpu.memory_space<hbm>>
      tpu.enqueue_dma source(%dma_start3A_62 : memref<128xi32, #tpu.memory_space<hbm>>) target(%arg10 : memref<128xi32, #tpu.memory_space<vmem>>) target_semaphore(%arg15 : memref<!tpu.dma_semaphore, #tpu.memory_space<semaphore_mem>>)
      %dma_start3A_63 = arith.constant 0 : i32
      %dma_start3A_64 = arith.constant 0 : i32
      %dma_start3A_65 = tpu.memref_slice %arg2[%dma_start3A_63, %dma_start3A_64] : memref<10240x128xf32, #tpu.memory_space<hbm>> -> memref<10240x128xf32, #tpu.memory_space<hbm>>
      tpu.enqueue_indirect_dma source(%dma_start3A_65 : memref<10240x128xf32, #tpu.memory_space<hbm>>) target(%arg13 : memref<128x128xf32, #tpu.memory_space<vmem>>) offsets(%arg9 : memref<128xi32, #tpu.memory_space<vmem>>) semaphore(%arg14 : memref<!tpu.dma_semaphore, #tpu.memory_space<semaphore_mem>>)
      %dma_wait3A_66 = arith.constant 0 : i32
      %dma_wait3A_67 = arith.constant 0 : i32
      %dma_wait3A_68 = tpu.memref_slice %arg2[%dma_wait3A_66, %dma_wait3A_67] : memref<10240x128xf32, #tpu.memory_space<hbm>> -> memref<10240x128xf32, #tpu.memory_space<hbm>>
      tpu.wait_indirect_dma semaphore(%arg14 : memref<!tpu.dma_semaphore, #tpu.memory_space<semaphore_mem>>) src(%dma_wait3A_68 : memref<10240x128xf32, #tpu.memory_space<hbm>>) dst(%arg13 : memref<128x128xf32, #tpu.memory_space<vmem>>)
      "tpu.region"() ({
        %run_scoped3A = tpu.sem_alloc : memref<!tpu.dma_semaphore, #tpu.memory_space<semaphore_mem>>
        %dma_start3A_87 = arith.constant 0 : i32
        %dma_start3A_88 = arith.constant 0 : i32
        %dma_start3A_89 = tpu.memref_slice %arg7[%dma_start3A_87, %dma_start3A_88] : memref<10240x128xf32, #tpu.memory_space<vmem_shared>> -> memref<10240x128xf32, #tpu.memory_space<vmem_shared>>
        tpu.enqueue_indirect_dma source(%arg13 : memref<128x128xf32, #tpu.memory_space<vmem>>) target(%dma_start3A_89 : memref<10240x128xf32, #tpu.memory_space<vmem_shared>>) offsets(%arg11 : memref<128xi32, #tpu.memory_space<vmem>>) semaphore(%run_scoped3A : memref<!tpu.dma_semaphore, #tpu.memory_space<semaphore_mem>>) {add = true}
        %dma_wait3A_90 = arith.constant 0 : i32
        %dma_wait3A_91 = arith.constant 0 : i32
        %dma_wait3A_92 = tpu.memref_slice %arg7[%dma_wait3A_90, %dma_wait3A_91] : memref<10240x128xf32, #tpu.memory_space<vmem_shared>> -> memref<10240x128xf32, #tpu.memory_space<vmem_shared>>
        tpu.wait_indirect_dma semaphore(%run_scoped3A : memref<!tpu.dma_semaphore, #tpu.memory_space<semaphore_mem>>) src(%arg13 : memref<128x128xf32, #tpu.memory_space<vmem>>) dst(%dma_wait3A_92 : memref<10240x128xf32, #tpu.memory_space<vmem_shared>>)
        tpu.yield
      }) : () -> ()
      %dma_wait3A_69 = arith.constant 0 : i32
      %dma_wait3A_70 = tpu.memref_slice %arg3[%dma_wait3A_69] : memref<335872xi32, #tpu.memory_space<hbm>> -> memref<128xi32, #tpu.memory_space<hbm>>
      %dma_wait3A_71 = tpu.memref_slice %arg3[%dma_wait3A_69] : memref<335872xi32, #tpu.memory_space<hbm>> -> memref<128xi32, #tpu.memory_space<hbm>>
      tpu.wait_dma2 semaphore(%arg15 : memref<!tpu.dma_semaphore, #tpu.memory_space<semaphore_mem>>) src(%dma_wait3A_71 : memref<128xi32, #tpu.memory_space<hbm>>) dst(%arg8 : memref<128xi32, #tpu.memory_space<vmem>>)
      %dma_wait3A_72 = arith.constant 0 : i32
      %dma_wait3A_73 = tpu.memref_slice %arg3[%dma_wait3A_72] : memref<335872xi32, #tpu.memory_space<hbm>> -> memref<128xi32, #tpu.memory_space<hbm>>
      %dma_wait3A_74 = tpu.memref_slice %arg3[%dma_wait3A_72] : memref<335872xi32, #tpu.memory_space<hbm>> -> memref<128xi32, #tpu.memory_space<hbm>>
      tpu.wait_dma2 semaphore(%arg15 : memref<!tpu.dma_semaphore, #tpu.memory_space<semaphore_mem>>) src(%dma_wait3A_74 : memref<128xi32, #tpu.memory_space<hbm>>) dst(%arg10 : memref<128xi32, #tpu.memory_space<vmem>>)
      %add3A_75 = arith.constant 3 : i32
      %add3A_76 = arith.addi %mul3A_38, %add3A_75 : i32
      %mul3A_77 = arith.constant 128 : i32
      %mul3A_78 = arith.muli %add3A_76, %mul3A_77 : i32
      %add3A_79 = arith.addi %mul3A_4, %mul3A_78 : i32
      %dma_start3A_80 = tpu.memref_slice %arg3[%add3A_79] : memref<335872xi32, #tpu.memory_space<hbm>> -> memref<128xi32, #tpu.memory_space<hbm>>
      %dma_start3A_81 = tpu.memref_slice %arg3[%add3A_79] : memref<335872xi32, #tpu.memory_space<hbm>> -> memref<128xi32, #tpu.memory_space<hbm>>
      tpu.enqueue_dma source(%dma_start3A_81 : memref<128xi32, #tpu.memory_space<hbm>>) target(%arg9 : memref<128xi32, #tpu.memory_space<vmem>>) target_semaphore(%arg15 : memref<!tpu.dma_semaphore, #tpu.memory_space<semaphore_mem>>)
      %mul3A_82 = arith.constant 128 : i32
      %mul3A_83 = arith.muli %add3A_76, %mul3A_82 : i32
      %add3A_84 = arith.addi %mul3A_4, %mul3A_83 : i32
      %dma_start3A_85 = tpu.memref_slice %arg4[%add3A_84] : memref<335872xi32, #tpu.memory_space<hbm>> -> memref<128xi32, #tpu.memory_space<hbm>>
      %dma_start3A_86 = tpu.memref_slice %arg4[%add3A_84] : memref<335872xi32, #tpu.memory_space<hbm>> -> memref<128xi32, #tpu.memory_space<hbm>>
      tpu.enqueue_dma source(%dma_start3A_86 : memref<128xi32, #tpu.memory_space<hbm>>) target(%arg11 : memref<128xi32, #tpu.memory_space<vmem>>) target_semaphore(%arg15 : memref<!tpu.dma_semaphore, #tpu.memory_space<semaphore_mem>>)
    }
    %dma_wait3A = arith.constant 0 : i32
    %dma_wait3A_26 = tpu.memref_slice %arg3[%dma_wait3A] : memref<335872xi32, #tpu.memory_space<hbm>> -> memref<128xi32, #tpu.memory_space<hbm>>
    %dma_wait3A_27 = tpu.memref_slice %arg3[%dma_wait3A] : memref<335872xi32, #tpu.memory_space<hbm>> -> memref<128xi32, #tpu.memory_space<hbm>>
    tpu.wait_dma2 semaphore(%arg15 : memref<!tpu.dma_semaphore, #tpu.memory_space<semaphore_mem>>) src(%dma_wait3A_27 : memref<128xi32, #tpu.memory_space<hbm>>) dst(%arg9 : memref<128xi32, #tpu.memory_space<vmem>>)
    %dma_wait3A_28 = arith.constant 0 : i32
    %dma_wait3A_29 = tpu.memref_slice %arg3[%dma_wait3A_28] : memref<335872xi32, #tpu.memory_space<hbm>> -> memref<128xi32, #tpu.memory_space<hbm>>
    %dma_wait3A_30 = tpu.memref_slice %arg3[%dma_wait3A_28] : memref<335872xi32, #tpu.memory_space<hbm>> -> memref<128xi32, #tpu.memory_space<hbm>>
    tpu.wait_dma2 semaphore(%arg15 : memref<!tpu.dma_semaphore, #tpu.memory_space<semaphore_mem>>) src(%dma_wait3A_30 : memref<128xi32, #tpu.memory_space<hbm>>) dst(%arg11 : memref<128xi32, #tpu.memory_space<vmem>>)
    %barrier3A_31 = arith.constant 0 : index
    tpu.barrier barrier_id(%barrier3A_31)
    %mul3A_32 = arith.constant 640 : i32
    %mul3A_33 = arith.muli %arg1, %mul3A_32 : i32
    %mul3A_34 = arith.constant 640 : i32
    %mul3A_35 = arith.muli %arg1, %mul3A_34 : i32
    "tpu.region"() ({
      %run_scoped3A = tpu.sem_alloc : memref<!tpu.dma_semaphore, #tpu.memory_space<semaphore_mem>>
      %dma_start3A_36 = arith.constant 0 : i32
      %dma_start3A_37 = arith.constant 0 : i32
      %dma_start3A_38 = tpu.memref_slice %arg6[%arg0, %dma_start3A_36, %dma_start3A_37] : memref<2x10240x128xf32, #tpu.memory_space<hbm>> -> memref<1x10240x128xf32, #tpu.memory_space<hbm>>
      %dma_start3A_39 = tpu.memref_squeeze %dma_start3A_38 : memref<1x10240x128xf32, #tpu.memory_space<hbm>> -> memref<10240x128xf32, #tpu.memory_space<hbm>>
      %dma_start3A_40 = arith.constant 0 : i32
      %dma_start3A_41 = tpu.memref_slice %dma_start3A_39[%mul3A_35, %dma_start3A_40] : memref<10240x128xf32, #tpu.memory_space<hbm>> -> memref<640x128xf32, #tpu.memory_space<hbm>>
      %dma_start3A_42 = arith.constant 0 : i32
      %dma_start3A_43 = tpu.memref_slice %arg7[%mul3A_33, %dma_start3A_42] : memref<10240x128xf32, #tpu.memory_space<vmem_shared>> -> memref<640x128xf32, #tpu.memory_space<vmem_shared>>
      tpu.enqueue_dma source(%dma_start3A_43 : memref<640x128xf32, #tpu.memory_space<vmem_shared>>) target(%dma_start3A_41 : memref<640x128xf32, #tpu.memory_space<hbm>>) target_semaphore(%run_scoped3A : memref<!tpu.dma_semaphore, #tpu.memory_space<semaphore_mem>>)
      %dma_wait3A_44 = arith.constant 0 : i32
      %dma_wait3A_45 = arith.constant 0 : i32
      %dma_wait3A_46 = tpu.memref_slice %arg6[%arg0, %dma_wait3A_44, %dma_wait3A_45] : memref<2x10240x128xf32, #tpu.memory_space<hbm>> -> memref<1x10240x128xf32, #tpu.memory_space<hbm>>
      %dma_wait3A_47 = tpu.memref_squeeze %dma_wait3A_46 : memref<1x10240x128xf32, #tpu.memory_space<hbm>> -> memref<10240x128xf32, #tpu.memory_space<hbm>>
      %dma_wait3A_48 = arith.constant 0 : i32
      %dma_wait3A_49 = tpu.memref_slice %dma_wait3A_47[%mul3A_35, %dma_wait3A_48] : memref<10240x128xf32, #tpu.memory_space<hbm>> -> memref<640x128xf32, #tpu.memory_space<hbm>>
      %dma_wait3A_50 = arith.constant 0 : i32
      %dma_wait3A_51 = tpu.memref_slice %arg7[%mul3A_33, %dma_wait3A_50] : memref<10240x128xf32, #tpu.memory_space<vmem_shared>> -> memref<640x128xf32, #tpu.memory_space<vmem_shared>>
      tpu.wait_dma2 semaphore(%run_scoped3A : memref<!tpu.dma_semaphore, #tpu.memory_space<semaphore_mem>>) src(%dma_wait3A_51 : memref<640x128xf32, #tpu.memory_space<vmem_shared>>) dst(%dma_wait3A_49 : memref<640x128xf32, #tpu.memory_space<hbm>>)
      tpu.yield
    }) : () -> ()
    return
  }
}

module attributes {stable_mosaic.version = 14 : i64} {
  func.func @_tc_prep_body(%arg0: i32, %arg1: memref<256x128xf32, #tpu.memory_space<vmem>>, %arg2: memref<256x128xf32, #tpu.memory_space<vmem>>, %arg3: memref<256x128xf32, #tpu.memory_space<vmem>>, %arg4: memref<256x128xf32, #tpu.memory_space<vmem>>, %arg5: memref<256x1xf32, #tpu.memory_space<vmem>>) attributes {dimension_semantics = [#tpu.dimension_semantics<arbitrary>], iteration_bounds = array<i64: 40>, scalar_prefetch = 0 : i64, scratch_operands = 0 : i64, tpu.core_type = #tpu.core_type<tc>, window_params = [{transform_indices = @transform_0, window_bounds = array<i64: 256, 128>}, {transform_indices = @transform_1, window_bounds = array<i64: 256, 128>}, {transform_indices = @transform_2, window_bounds = array<i64: 256, 128>}, {transform_indices = @transform_3, window_bounds = array<i64: 256, 128>}, {transform_indices = @transform_4, window_bounds = array<i64: 256, 1>}]} {
    %get3A = arith.constant 0 : index
    %get3A_0 = arith.constant 0 : index
    %get3A_1 = vector.load %arg1[%get3A, %get3A_0] : memref<256x128xf32, #tpu.memory_space<vmem>>, vector<256x128xf32>
    %slice3A = vector.extract_strided_slice %get3A_1 {offsets = [0, 0], sizes = [256, 1], strides = [1, 1]} : vector<256x128xf32> to vector<256x1xf32>
    %get3A_2 = arith.constant 0 : index
    %get3A_3 = arith.constant 0 : index
    %get3A_4 = vector.load %arg2[%get3A_2, %get3A_3] : memref<256x128xf32, #tpu.memory_space<vmem>>, vector<256x128xf32>
    %slice3A_5 = vector.extract_strided_slice %get3A_4 {offsets = [0, 0], sizes = [256, 1], strides = [1, 1]} : vector<256x128xf32> to vector<256x1xf32>
    %add3A = arith.addf %slice3A, %slice3A_5 : vector<256x1xf32>
    %add3A_6 = arith.constant 1.000000e+00 : f32
    %add3A_7 = vector.broadcast %add3A_6 : f32 to vector<256x1xf32>
    %add3A_8 = arith.addf %add3A, %add3A_7 : vector<256x1xf32>
    %rsqrt3A = math.rsqrt %add3A_8 : vector<256x1xf32>
    %get3A_9 = arith.constant 0 : index
    %get3A_10 = arith.constant 0 : index
    %get3A_11 = vector.load %arg3[%get3A_9, %get3A_10] : memref<256x128xf32, #tpu.memory_space<vmem>>, vector<256x128xf32>
    %mul3A = vector.broadcast %rsqrt3A : vector<256x1xf32> to vector<256x128xf32>
    %mul3A_12 = arith.mulf %get3A_11, %mul3A : vector<256x128xf32>
    %swap3A = arith.constant 0 : index
    %swap3A_13 = arith.constant 0 : index
    %swap3A_14 = vector.load %arg4[%swap3A, %swap3A_13] : memref<256x128xf32, #tpu.memory_space<vmem>>, vector<256x128xf32>
    tpu.vector_store %arg4[%swap3A, %swap3A_13], %mul3A_12 {strides = array<i32>} : memref<256x128xf32, #tpu.memory_space<vmem>>, vector<256x128xf32>,
    %swap3A_15 = arith.constant 0 : index
    %swap3A_16 = arith.constant 0 : index
    %swap3A_17 = vector.load %arg5[%swap3A_15, %swap3A_16] : memref<256x1xf32, #tpu.memory_space<vmem>>, vector<256x1xf32>
    tpu.vector_store %arg5[%swap3A_15, %swap3A_16], %rsqrt3A {strides = array<i32>} : memref<256x1xf32, #tpu.memory_space<vmem>>, vector<256x1xf32>,
    return
  }
  func.func @transform_0(%arg0: i32) -> (i32, i32) {
    %c0_i32 = arith.constant 0 : i32
    %c0_i32_0 = arith.constant 0 : i32
    return %arg0, %c0_i32 : i32, i32
  }
  func.func @transform_1(%arg0: i32) -> (i32, i32) {
    %c0_i32 = arith.constant 0 : i32
    %c0_i32_0 = arith.constant 0 : i32
    return %arg0, %c0_i32 : i32, i32
  }
  func.func @transform_2(%arg0: i32) -> (i32, i32) {
    %c0_i32 = arith.constant 0 : i32
    %c0_i32_0 = arith.constant 0 : i32
    return %arg0, %c0_i32 : i32, i32
  }
  func.func @transform_3(%arg0: i32) -> (i32, i32) {
    %c0_i32 = arith.constant 0 : i32
    %c0_i32_0 = arith.constant 0 : i32
    return %arg0, %c0_i32 : i32, i32
  }
  func.func @transform_4(%arg0: i32) -> (i32, i32) {
    %c0_i32 = arith.constant 0 : i32
    %c0_i32_0 = arith.constant 0 : i32
    return %arg0, %c0_i32 : i32, i32
  }
}

module attributes {stable_mosaic.version = 14 : i64} {
  func.func @_tc_finish_body(%arg0: i32, %arg1: memref<256x128xf32, #tpu.memory_space<vmem>>, %arg2: memref<256x128xf32, #tpu.memory_space<vmem>>, %arg3: memref<256x128xf32, #tpu.memory_space<vmem>>, %arg4: memref<256x128xf32, #tpu.memory_space<vmem>>, %arg5: memref<256x1xf32, #tpu.memory_space<vmem>>, %arg6: memref<128x128xf32, #tpu.memory_space<vmem>>, %arg7: memref<1x128xf32, #tpu.memory_space<vmem>>, %arg8: memref<1x128xf32, #tpu.memory_space<vmem>>, %arg9: memref<1x128xf32, #tpu.memory_space<vmem>>, %arg10: memref<256x128xf32, #tpu.memory_space<vmem>>) attributes {dimension_semantics = [#tpu.dimension_semantics<arbitrary>], iteration_bounds = array<i64: 40>, scalar_prefetch = 0 : i64, scratch_operands = 0 : i64, tpu.core_type = #tpu.core_type<tc>, window_params = [{transform_indices = @transform_0, window_bounds = array<i64: 256, 128>}, {transform_indices = @transform_1, window_bounds = array<i64: 256, 128>}, {transform_indices = @transform_2, window_bounds = array<i64: 256, 128>}, {transform_indices = @transform_3, window_bounds = array<i64: 256, 128>}, {transform_indices = @transform_4, window_bounds = array<i64: 256, 1>}, {pipeline_mode = #tpu.pipeline_mode<synchronous>, transform_indices = @transform_5, window_bounds = array<i64: 128, 128>}, {pipeline_mode = #tpu.pipeline_mode<synchronous>, transform_indices = @transform_6, window_bounds = array<i64: 1, 128>}, {pipeline_mode = #tpu.pipeline_mode<synchronous>, transform_indices = @transform_7, window_bounds = array<i64: 1, 128>}, {pipeline_mode = #tpu.pipeline_mode<synchronous>, transform_indices = @transform_8, window_bounds = array<i64: 1, 128>}, {transform_indices = @transform_9, window_bounds = array<i64: 256, 128>}]} {
    %get3A = arith.constant 0 : index
    %get3A_0 = arith.constant 0 : index
    %get3A_1 = vector.load %arg3[%get3A, %get3A_0] : memref<256x128xf32, #tpu.memory_space<vmem>>, vector<256x128xf32>
    %get3A_2 = arith.constant 0 : index
    %get3A_3 = arith.constant 0 : index
    %get3A_4 = vector.load %arg4[%get3A_2, %get3A_3] : memref<256x128xf32, #tpu.memory_space<vmem>>, vector<256x128xf32>
    %add3A = arith.addf %get3A_1, %get3A_4 : vector<256x128xf32>
    %get3A_5 = arith.constant 0 : index
    %get3A_6 = arith.constant 0 : index
    %get3A_7 = vector.load %arg2[%get3A_5, %get3A_6] : memref<256x128xf32, #tpu.memory_space<vmem>>, vector<256x128xf32>
    %add3A_8 = arith.addf %add3A, %get3A_7 : vector<256x128xf32>
    %get3A_9 = arith.constant 0 : index
    %get3A_10 = arith.constant 0 : index
    %get3A_11 = vector.load %arg6[%get3A_9, %get3A_10] : memref<128x128xf32, #tpu.memory_space<vmem>>, vector<128x128xf32>
    %dot_general3A = arith.constant dense<0.000000e+00> : vector<256x128xf32>
    %dot_general3A_12 = tpu.matmul %add3A_8, %get3A_11, %dot_general3A {dimension_numbers = #tpu.dot_dimension_numbers<[1], [0], [0], [1], [0, 0, 1, 1], [], []>, transpose_lhs_hint = false} : vector<256x128xf32>, vector<128x128xf32>, vector<256x128xf32> -> vector<256x128xf32>
    %get3A_13 = arith.constant 0 : index
    %get3A_14 = arith.constant 0 : index
    %get3A_15 = vector.load %arg1[%get3A_13, %get3A_14] : memref<256x128xf32, #tpu.memory_space<vmem>>, vector<256x128xf32>
    %get3A_16 = arith.constant 0 : index
    %get3A_17 = arith.constant 0 : index
    %get3A_18 = vector.load %arg5[%get3A_16, %get3A_17] : memref<256x1xf32, #tpu.memory_space<vmem>>, vector<256x1xf32>
    %mul3A = vector.broadcast %get3A_18 : vector<256x1xf32> to vector<256x128xf32>
    %mul3A_19 = arith.mulf %mul3A, %dot_general3A_12 : vector<256x128xf32>
    %add3A_20 = arith.addf %get3A_15, %mul3A_19 : vector<256x128xf32>
    %get3A_21 = arith.constant 0 : index
    %get3A_22 = arith.constant 0 : index
    %get3A_23 = vector.load %arg7[%get3A_21, %get3A_22] : memref<1x128xf32, #tpu.memory_space<vmem>>, vector<1x128xf32>
    %add3A_24 = vector.broadcast %get3A_23 : vector<1x128xf32> to vector<256x128xf32>
    %add3A_25 = arith.addf %add3A_20, %add3A_24 : vector<256x128xf32>
    %reduce_sum3A = arith.constant dense<0.000000e+00> : vector<256xf32>
    %reduce_sum3A_26 = vector.multi_reduction <add>, %add3A_25, %reduce_sum3A [1] : vector<256x128xf32> to vector<256xf32>
    %broadcast_in_dim3A = vector.shape_cast %reduce_sum3A_26 : vector<256xf32> to vector<256x1xf32>
    %div3A = arith.constant 1.280000e+02 : f32
    %div3A_27 = vector.broadcast %div3A : f32 to vector<256x1xf32>
    %div3A_28 = arith.divf %broadcast_in_dim3A, %div3A_27 : vector<256x1xf32>
    %sub3A = vector.broadcast %div3A_28 : vector<256x1xf32> to vector<256x128xf32>
    %sub3A_29 = arith.subf %add3A_25, %sub3A : vector<256x128xf32>
    %mul3A_30 = arith.mulf %sub3A_29, %sub3A_29 : vector<256x128xf32>
    %reduce_sum3A_31 = arith.constant dense<0.000000e+00> : vector<256xf32>
    %reduce_sum3A_32 = vector.multi_reduction <add>, %mul3A_30, %reduce_sum3A_31 [1] : vector<256x128xf32> to vector<256xf32>
    %broadcast_in_dim3A_33 = vector.shape_cast %reduce_sum3A_32 : vector<256xf32> to vector<256x1xf32>
    %div3A_34 = arith.constant 1.280000e+02 : f32
    %div3A_35 = vector.broadcast %div3A_34 : f32 to vector<256x1xf32>
    %div3A_36 = arith.divf %broadcast_in_dim3A_33, %div3A_35 : vector<256x1xf32>
    %add3A_37 = arith.constant 1.000000e-03 : f32
    %add3A_38 = vector.broadcast %add3A_37 : f32 to vector<256x1xf32>
    %add3A_39 = arith.addf %div3A_36, %add3A_38 : vector<256x1xf32>
    %rsqrt3A = math.rsqrt %add3A_39 : vector<256x1xf32>
    %mul3A_40 = vector.broadcast %rsqrt3A : vector<256x1xf32> to vector<256x128xf32>
    %mul3A_41 = arith.mulf %sub3A_29, %mul3A_40 : vector<256x128xf32>
    %get3A_42 = arith.constant 0 : index
    %get3A_43 = arith.constant 0 : index
    %get3A_44 = vector.load %arg8[%get3A_42, %get3A_43] : memref<1x128xf32, #tpu.memory_space<vmem>>, vector<1x128xf32>
    %mul3A_45 = vector.broadcast %get3A_44 : vector<1x128xf32> to vector<256x128xf32>
    %mul3A_46 = arith.mulf %mul3A_41, %mul3A_45 : vector<256x128xf32>
    %get3A_47 = arith.constant 0 : index
    %get3A_48 = arith.constant 0 : index
    %get3A_49 = vector.load %arg9[%get3A_47, %get3A_48] : memref<1x128xf32, #tpu.memory_space<vmem>>, vector<1x128xf32>
    %add3A_50 = vector.broadcast %get3A_49 : vector<1x128xf32> to vector<256x128xf32>
    %add3A_51 = arith.addf %mul3A_46, %add3A_50 : vector<256x128xf32>
    %swap3A = arith.constant 0 : index
    %swap3A_52 = arith.constant 0 : index
    %swap3A_53 = vector.load %arg10[%swap3A, %swap3A_52] : memref<256x128xf32, #tpu.memory_space<vmem>>, vector<256x128xf32>
    tpu.vector_store %arg10[%swap3A, %swap3A_52], %add3A_51 {strides = array<i32>} : memref<256x128xf32, #tpu.memory_space<vmem>>, vector<256x128xf32>,
    return
  }
  func.func @transform_0(%arg0: i32) -> (i32, i32) {
    %c0_i32 = arith.constant 0 : i32
    %c0_i32_0 = arith.constant 0 : i32
    return %arg0, %c0_i32 : i32, i32
  }
  func.func @transform_1(%arg0: i32) -> (i32, i32) {
    %c0_i32 = arith.constant 0 : i32
    %c0_i32_0 = arith.constant 0 : i32
    return %arg0, %c0_i32 : i32, i32
  }
  func.func @transform_2(%arg0: i32) -> (i32, i32) {
    %c0_i32 = arith.constant 0 : i32
    %c0_i32_0 = arith.constant 0 : i32
    return %arg0, %c0_i32 : i32, i32
  }
  func.func @transform_3(%arg0: i32) -> (i32, i32) {
    %c0_i32 = arith.constant 0 : i32
    %c0_i32_0 = arith.constant 0 : i32
    return %arg0, %c0_i32 : i32, i32
  }
  func.func @transform_4(%arg0: i32) -> (i32, i32) {
    %c0_i32 = arith.constant 0 : i32
    %c0_i32_0 = arith.constant 0 : i32
    return %arg0, %c0_i32 : i32, i32
  }
  func.func @transform_5(%arg0: i32) -> (i32, i32) {
    %c0_i32 = arith.constant 0 : i32
    %c0_i32_0 = arith.constant 0 : i32
    %c0_i32_1 = arith.constant 0 : i32
    return %c0_i32, %c0_i32_0 : i32, i32
  }
  func.func @transform_6(%arg0: i32) -> (i32, i32) {
    %c0_i32 = arith.constant 0 : i32
    %c0_i32_0 = arith.constant 0 : i32
    %c0_i32_1 = arith.constant 0 : i32
    return %c0_i32, %c0_i32_0 : i32, i32
  }
  func.func @transform_7(%arg0: i32) -> (i32, i32) {
    %c0_i32 = arith.constant 0 : i32
    %c0_i32_0 = arith.constant 0 : i32
    %c0_i32_1 = arith.constant 0 : i32
    return %c0_i32, %c0_i32_0 : i32, i32
  }
  func.func @transform_8(%arg0: i32) -> (i32, i32) {
    %c0_i32 = arith.constant 0 : i32
    %c0_i32_0 = arith.constant 0 : i32
    %c0_i32_1 = arith.constant 0 : i32
    return %c0_i32, %c0_i32_0 : i32, i32
  }
  func.func @transform_9(%arg0: i32) -> (i32, i32) {
    %c0_i32 = arith.constant 0 : i32
    %c0_i32_0 = arith.constant 0 : i32
    return %arg0, %c0_i32 : i32, i32
  }
}

</mosaic_0001>

<sc_bundles>
// kernel: kernel.6.cloned.1.call-start
scs
__scs_entry_jumppad:
0x0: {  	(pc) =	sbr.rel $0x88, $3  }
0x1: {  	(tag) =	ssettag $0x0;
	lr =	simm.s32 $0x1  }
0x2: {  	[smem:$0x3F9B] =	sst lr;
	_ =	strace $0xD0000000  }
0x3: {  	_ = 	snop  }
0x4: {  	_ = 	snop  }
0x5: {  	_ = 	snop  }
0x6: {  	_ = 	snop  }
0x7: {  	_ = 	snop  }
__scs_overlays_trampoline_lowered:
0x8: {  	[smem:$0x3FAA] =	sst s0  }
0x9: {  	[smem:$0x3FAB] =	sst s1  }
0xa: {  	[smem:$0x3FAC] =	sst s2  }
0xb: {  	[smem:$0x3FAD] =	sst s3  }
0xc: {  	[smem:$0x3FAE] =	sst s4  }
0xd: {  	[smem:$0x3FAF] =	sst s5  }
0xe: {  	[smem:$0x3FB0] =	sst s6  }
0xf: {  	[smem:$0x3FB1] =	sst s7  }
0x10: {  	[smem:$0x3FB2] =	sst s8  }
0x11: {  	[smem:$0x3FB3] =	sst s9;
	s0 =	simm.s32 @!p0 $0x0  }
0x12: {  	s1 =	sld [smem:$0x3F99];
	s0 =	simm.s32 @p0 $0x1  }
0x13: {  	[smem:$0x3FB4] =	sst s0;
	s0 =	simm.s32 @!p1 $0x0  }
0x14: {  	s2 =	sld [smem:$0x3F98];
	s0 =	simm.s32 @p1 $0x1  }
0x15: {  	[smem:$0x3FB5] =	sst s0;
	s0 =	simm.s32 @!p2 $0x0  }
0x16: {  	s3 =	sld [smem:$0x3FDB];
	s0 =	simm.s32 @p2 $0x1  }
0x17: {  	s4 =	simm.s32 $0x1BF5;
	[smem:$0x3FB7] =	sst s0  }
0x18: {  	s0 =	sld [smem:$0x3F9A];
	_ =	swait.ge [sflag:s4], $0x0  }
0x19: {  	s7 =	sld [smem:$0x3F9B]  }
0x1a: {  	s8 =	sadd.s32 $0xFFFFE003, lr  }
0x1b: {  	s9 =	sadd.s32 $0xFFFFFEF7, lr;
	s5 =	simm.s32 $0xFFFFFFFF;
	p2 =	slt.u32 s8, $0xFFFFF086  }
0x1c: {  	p1 =	slt.u32 s9, $0xF7A;
	s5 =	simm.s32 @!p2 $0x0  }
0x1d: {  	s5 =	simm.s32 @p1 $0x1;
	p0 =	seq.s32 s7, s2  }
0x1e: {  	s7 =	smul.u32 @!p0 $0xF7A, s2;
	p2 =	seq.s32 @!p0 s5, $0x0  }
0x1f: {  	s9 =	smul.u32 $0xF7A, s1;
	s8 =	simm.s32 @!p0 $0x1BF5;
	p2 =	por !p2, p0  }
0x20: {  	[sflag:s8] =	ssyncset.s32 @!p0 $0xFFFFF086;
	s6 =	sadd.s32 @!p0 s3, s7;
	s7 =	simm.s32 @!p0 $0x108  }
0x21: {  	s3 =	sadd.s32 s3, s9;
	s6 =	sadd.s32 @!p0 $0x88, s6;
	s7 =	simm.s32 @p2 $0x1082  }
0x22: {  	[simem:s7], [sflag:s8] =	dma.local @!p0 [hbm:s6], $0xF7A  }
0x23: {  	s9 =	sor.u32 $0xD0000000, s2;
	s6 =	simm.s32 $0x108;
	_ =	swait.ge @!p0 [sflag:s8], $0x0  }
0x24: {  	s3 =	sadd.s32 $0x88, s3;
	s6 =	simm.s32 @!p1 $0x1082;
	[sflag:s4] =	ssyncset.s32 $0xFFFFF086  }
0x25: {  	[simem:s6], [sflag:s4] =	dma.local [hbm:s3], $0xF7A  }
0x26: {  	[smem:$0x3F9B] =	sst s1;
	(tag) =	ssettag s2;
	_ =	strace s9  }
0x27: {  	s1 =	sld [smem:$0x3FAB]  }
0x28: {  	s2 =	sld [smem:$0x3FAC]  }
0x29: {  	s4 =	sld [smem:$0x3FAE]  }
0x2a: {  	p0 =	seq.s32 s5, $0x0;
	s5 =	sld [smem:$0x3FAF]  }
0x2b: {  	s6 =	sld [smem:$0x3FB0]  }
0x2c: {  	s7 =	sld [smem:$0x3FB1]  }
0x2d: {  	s3 =	simm.s32 $0x108;
	s8 =	sld [smem:$0x3FB2]  }
0x2e: {  	s3 =	simm.s32 @!p0 $0x1082;
	s9 =	sld [smem:$0x3FB3]  }
0x2f: {  	lr =	sadd.s32 s0, s3;
	s0 =	sld [smem:$0x3FAA]  }
0x30: {  	s3 =	sld [smem:$0x3FAD]  }
0x31: {  	[smem:$0x3FB6] =	sst s10  }
0x32: {  	s10 =	sld [smem:$0x3FB4];
	_ =	sdelay $0x3  }
0x33: {  	p0 =	seq.s32 s10, $0x1;
	s10 =	sld [smem:$0x3FB6];
	_ =	sdelay $0x3  }
0x34: {  	[smem:$0x3FB6] =	sst s10  }
0x35: {  	s10 =	sld [smem:$0x3FB5];
	_ =	sdelay $0x3  }
0x36: {  	p1 =	seq.s32 s10, $0x1;
	s10 =	sld [smem:$0x3FB6];
	_ =	sdelay $0x3  }
0x37: {  	[smem:$0x3FB6] =	sst s10  }
0x38: {  	s10 =	sld [smem:$0x3FB7]  }
0x39: {  	_ = 	snop;
	(pc) =	sbr.ind lr, $3  }
0x3a: {  	_ = 	snop  }
0x3b: {  	_ = 	snop  }
0x3c: {  	p2 =	seq.s32 s10, $0x1;
	s10 =	sld [smem:$0x3FB6]  }
0x3d: {  	_ =	shalt  }
0x3e: {  	_ =	shalt  }
0x3f: {  	_ =	shalt  }
0x40: {  	_ =	shalt  }
0x41: {  	_ =	shalt  }
0x42: {  	_ =	shalt  }
0x43: {  	_ =	shalt  }
0x44: {  	_ =	shalt  }
0x45: {  	_ =	shalt  }
0x46: {  	_ =	shalt  }
0x47: {  	_ =	shalt  }
0x48: {  	_ =	shalt  }
0x49: {  	_ =	shalt  }
0x4a: {  	_ =	shalt  }
0x4b: {  	_ =	shalt  }
0x4c: {  	_ =	shalt  }
0x4d: {  	_ =	shalt  }
0x4e: {  	_ =	shalt  }
0x4f: {  	_ =	shalt  }
0x50: {  	_ =	shalt  }
0x51: {  	_ =	shalt  }
0x52: {  	_ =	shalt  }
0x53: {  	_ =	shalt  }
0x54: {  	_ =	shalt  }
0x55: {  	_ =	shalt  }
0x56: {  	_ =	shalt  }
0x57: {  	_ =	shalt  }
0x58: {  	_ =	shalt  }
0x59: {  	_ =	shalt  }
0x5a: {  	_ =	shalt  }
0x5b: {  	_ =	shalt  }
0x5c: {  	_ =	shalt  }
0x5d: {  	_ =	shalt  }
0x5e: {  	_ =	shalt  }
0x5f: {  	_ =	shalt  }
0x60: {  	_ =	shalt  }
0x61: {  	_ =	shalt  }
0x62: {  	_ =	shalt  }
0x63: {  	_ =	shalt  }
0x64: {  	_ =	shalt  }
0x65: {  	_ =	shalt  }
0x66: {  	_ =	shalt  }
0x67: {  	_ =	shalt  }
0x68: {  	_ =	shalt  }
0x69: {  	_ =	shalt  }
0x6a: {  	_ =	shalt  }
0x6b: {  	_ =	shalt  }
0x6c: {  	_ =	shalt  }
0x6d: {  	_ =	shalt  }
0x6e: {  	_ =	shalt  }
0x6f: {  	_ =	shalt  }
0x70: {  	_ =	shalt  }
0x71: {  	_ =	shalt  }
0x72: {  	_ =	shalt  }
0x73: {  	_ =	shalt  }
0x74: {  	_ =	shalt  }
0x75: {  	_ =	shalt  }
0x76: {  	_ =	shalt  }
0x77: {  	_ =	shalt  }
0x78: {  	_ =	shalt  }
0x79: {  	_ =	shalt  }
0x7a: {  	_ =	shalt  }
0x7b: {  	_ =	shalt  }
0x7c: {  	_ =	shalt  }
0x7d: {  	_ =	shalt  }
0x7e: {  	_ =	shalt  }
0x7f: {  	_ =	shalt  }
0x80: {  	_ =	shalt  }
0x81: {  	_ =	shalt  }
0x82: {  	_ =	shalt  }
0x83: {  	_ =	shalt  }
0x84: {  	_ =	shalt  }
0x85: {  	_ =	shalt  }
0x86: {  	_ =	shalt  }
0x87: {  	_ =	shalt  }
.Lfunc_end0:
.L_simem_size_0:
called_computation_lowered:
.L_overlay_start_0:
0x88: {  	s2 =	sld [smem:$0x3FD9]  }
0x89: {  	s3 =	sld [smem:$0x3FFE];
	_ =	sdelay $0x1  }
0x8a: {  	s1 =	srdreg.scid  }
0x8b: {  	s0 =	sand.u32 $0x1, s1  }
0x8c: {  	s17 =	sshll.u32 s0, $0xA;
	s2 =	sadd.s32 s3, s2  }
0x8d: {  	s2 =	sadd.s32 s2, s17  }
0x8e: {  	[smem:$0x3FC2] =	sst s2  }
0x8f: {  	_ = 	snop  }
0x90: {  	s2 =	sld [smem:$0x3FD0];
	(tm) =	ssettm $0x1  }
0x91: {  	s18 =	sld [smem:$0x3FFB];
	_ =	sdelay $0x3  }
0x92: {  	_ =	strace s18  }
0x93: {  	s3 =	sld [smem:$0x3FFC];
	_ =	sdelay $0x3  }
0x94: {  	_ =	strace s3  }
0x95: {  	s3 =	sld [smem:$0x3FFD];
	_ =	sdelay $0x3  }
0x96: {  	_ =	strace s3  }
0x97: {  	_ =	strace $0x8FFFFFFF  }
0x98: {  	s19 =	sld [smem:$0x3FDB];
	_ =	sdelay $0x1  }
0x99: {  	s4 =	simm.s32 $_scs_section_size  }
0x9a: {  	s5 =	simm.s32 $_size__tile_overlayer_lowered;
	s6 =	simm.s32 $_tile_overlayer_lowered  }
0x9b: {  	s22 =	simm.s32 $0x1BFF;
	s21 =	sshll.u32 s6, $0x1;
	s3 =	sadd.s32 s4, s19  }
0x9c: {  	s7 =	simm.s32 $0x0;
	s20 =	sshll.u32 s5, $0x1;
	s5 =	sadd.s32 s21, s3  }
0x9d: {  	[timem:s7], [sflag:s22] =	dma.local [hbm:s5], s20  }
0x9e: {  	_ =	swait.ge [sflag:s22], s20  }
0x9f: {  	s4 =	ssub.s32 $0x0, s20;
	[sflag:s22] =	ssyncset.done $0x0  }
0xa0: {  	[sflag:s22] =	ssyncadd.s32 s4;
	_ =	sdelay $0x1  }
0xa1: {  	s23 =	simm.s32 $0x1B8B  }
0xa2: {  	_ =	swait.ge [sflag:s23], $0x1  }
0xa3: {  	[sflag:s23] =	ssyncset.done $0x0  }
0xa4: {  	s25 =	simm.s32 $0x1B8E;
	s24 =	sld [smem:$0x3FFE];
	[sflag:s23] =	ssyncadd.s32 $0xFFFFFFFF  }
0xa5: {  	s26 =	simm.s32 $execute0_lowered;
	[smem:$0x3FD2] =	sst s25  }
0xa6: {  	s5 =	sshll.u32 s26, $0x1;
	_ =	strace $0x80000046;
	[dreg:$0x1] =	wrdreg $0xFFFFFFFF  }
0xa7: {  	s28 =	simm.s32 $_size_execute0_lowered;
	s3 =	sadd.s32 s3, s5;
	[dreg:$0x0] =	wrdreg $0x0  }
0xa8: {  	s5 =	sshll.u32 s28, $0x1;
	[dreg:$0x2] =	wrdreg s3  }
0xa9: {  	[dreg:$0x3] =	wrdreg s5  }
0xaa: {  	[dreg:$0x4] =	wrdreg $0xC0  }
0xab: {  	_ =	task [dreg:s7], $0x5FFFF  }
0xac: {  	[dreg:$0x1] =	wrdreg $0xFFFFFFFF  }
0xad: {  	[dreg:$0x0] =	wrdreg $0x60  }
0xae: {  	[dreg:$0x2] =	wrdreg s2  }
0xaf: {  	[dreg:$0x3] =	wrdreg s24  }
0xb0: {  	[dreg:$0x4] =	wrdreg $0x0  }
0xb1: {  	[dreg:$0x5] =	wrdreg $0x9  }
0xb2: {  	_ =	task.clear_ibuf [dreg:s7], $0x6FFFF;
	_ =	strace $0x90000046  }
0xb3: {  	s29 =	simm.s32 $0x9;
	_ =	strace $0x80000048  }
0xb4: {  	_ =	swait.ge [sflag:s29], $0x1  }
0xb5: {  	[sflag:s29] =	ssyncadd.s32 $0xFFFFFFFF  }
0xb6: {  	_ =	strace $0x90000048  }
0xb7: {  	_ =	sfence  }
0xb8: {  	s30 =	sld [smem:$0x0];
	_ =	sdelay $0x2  }
0xb9: {  	s31 =	sshll.u32 s1, $0xD;
	s1 =	sshrl.u32 s1, $0x2  }
0xba: {  	s3 =	sand.u32 $0x4000, s31;
	s1 =	sadd.s32 s1, s30  }
0xbb: {  	s0 =	sor.u32 s3, s0;
	s1 =	sshll.u32 s1, $0x11  }
0xbc: {  	s0 =	sor.u32 s1, s0  }
0xbd: {  	s0 =	sadd.s32 $0x8F2B, s0  }
0xbe: {  	[sflag:s0] =	ssyncadd.remote.s32 $0x1  }
0xbf: {  	_ =	sfence.sel $0xFFFF  }
0xc0: {  	[dreg:$0x0] =	wrdreg $0xFFFFFFFF;
	(pc) =	sbr.abs _section_cstart, $3  }
0xc1: {  	[dreg:$0x1] =	wrdreg $0xFFFFFFFF  }
0xc2: {  	_ =	task.clear_ibuf [dreg:s7], $0x2FFFF;
	_ =	strace $0x9FFFFFFF  }
0xc3: {  	(tm) =	ssettm $0x7FFFFFFF  }
tec
execute0_lowered:
.L_overlay_start_1:
0x0: {  	(tag) =	ssettag $0x1  }
0x1: {  	s1 =	rddreg [dreg:$0x0]  }
0x2: {  	s7 =	rddreg [dreg:$0x1]  }
0x3: {  	s2 =	rddreg [dreg:$0x2]  }
0x4: {  	s0 =	rddreg [dreg:$0x3];
	s3 =	srdreg.scid  }
0x5: {  	s4 =	simm.s32 $0x0;
	s16 =	simm.s32 $0x18000;
	s17 =	simm.s32 $0x18080  }
0x6: {  	s18 =	simm.s32 $0x1;
	s8 =	sand.u32 $0x1, s3;
	s3 =	stileid.u32  }
0x7: {  	s19 =	simm.s32 $0x80;
	[smem:$0x7FF] =	sst s4;
	s9 =	smul.u32 $0x28000, s8  }
0x8: {  	s6 =	sadd.s32 $0x5200, s7;
	s5 =	sshll.u32 s3, $0x1;
	s11 =	smul.u32 $0x50000, s3  }
0x9: {  	_ =	strace $0x80000047;
	s25 =	ssub.s32 $0x2, s8;
	s26 =	smul.u32 $0x5200, s3  }
0xa: {  	s29 =	sshll.u32 s3, $0x6;
	s21 =	smul.u32 $0x2800, s3;
	s10 =	sor.u32 s8, s5  }
0xb: {  	s5 =	sadd.s32 $0x2A00, s7;
	s13 =	sshrl.u32 s25, $0x1;
	s8 =	smul.u32 $0x2900, s8  }
0xc: {  	s10 =	smul.u32 $0x2900, s10;
	s12 =	sadd.s32 s9, s7;
	s11 =	sshrl.u32 s11, $0x2  }
0xd: {  	s13 =	ssub.s32 s25, s13;
	s14 =	sadd.s32 s11, s2;
	s15 =	sadd.s32 s8, s26  }
0xe: {  	s8 =	sor.u32 $0x1C02, s29;
	s20 =	sadd.s32 $0x5A00, s12;
	s28 =	sshrl.u32 s10, $0x3  }
0xf: {  	s30 =	sadd.s32 $0x180, s15;
	s10 =	smax.u32 s13, $0x1;
	s12 =	sadd.s32 $0x100, s15  }
0x10: {  	s13 =	sshrl.u32 s14, $0x3;
	s14 =	simm.s32 $0x2;
	s15 =	simm.s32 $0x14000  }
0x11: {  	s20 =	sadd.s32 s21, s20;
	s7 =	sadd.s32 s1, s28;
	s31 =	sshrl.u32 s30, $0x3  }
0x12: {  	s21 =	simm.s32 $0x0;
	s9 =	sadd.s32 $0x10, s7;
	s11 =	sadd.s32 s31, s1  }
.LBB2_1:
0x13: {  	[spmem:s13], [sflag:s8] =	dma.local [hbm:s5], $0x2800  }
0x14: {  	_ =	swait.ge [sflag:s14], $0x2800  }
0x15: {  	[sflag:s14] =	ssyncset.done $0x0  }
0x16: {  	[sflag:s14] =	ssyncadd.s32 $0xFFFFD800  }
0x17: {  	[tilespmem:s15], [sflag:$0x2] =	stream.linear.gather [hbm4b:s6+s4], $0x4000, $0x38;
	[tilespmem:$0x18100] =	vst v63  }
0x18: {  	_ =	swait.ge [sflag:s14], $0x4000  }
0x19: {  	[sflag:s14] =	ssyncset.done $0x0  }
0x1a: {  	[sflag:s14] =	ssyncadd.s32 $0xFFFFC000  }
0x1b: {  	[bflag:$0x0] =	sbarrier.arrive $0xFFFF  }
0x1c: {  	[tilespmem:s16], [sflag:$0x2] =	stream.linear.gather [hbm4b:s7+s4], $0x80, $0x38;
	[tilespmem:$0x18100] =	vst v63  }
0x1d: {  	_ =	swait.ge [sflag:s14], $0x80  }
0x1e: {  	[sflag:s14] =	ssyncset.done $0x0  }
0x1f: {  	[sflag:s14] =	ssyncadd.s32 $0xFFFFFF80  }
0x20: {  	[tilespmem:s17], [sflag:$0x1] =	stream.linear.gather [hbm4b:s9+s4], $0x80, $0x38;
	[tilespmem:$0x18100] =	vst v63  }
0x21: {  	_ =	swait.ge [sflag:s18], $0x80  }
0x22: {  	[sflag:s18] =	ssyncset.done $0x0  }
0x23: {  	[sflag:s18] =	ssyncadd.s32 $0xFFFFFF80  }
0x24: {  	[spmem:s2] =	stream.indirect.scatter.add.f32 [tilespmem:s15], [sflag:$0x2], $0x80, s16, s19, $0xb8;
	[tilespmem:$0x18100] =	vst v63  }
0x25: {  	_ =	swait.ge [sflag:s14], $0x4000  }
0x26: {  	s22 =	sshrl.u32 s12, $0x3;
	[sflag:s14] =	ssyncset.done $0x0  }
0x27: {  	s22 =	sadd.s32 s1, s22;
	[sflag:s14] =	ssyncadd.s32 $0xFFFFC000  }
0x28: {  	[tilespmem:s16], [sflag:$0x1] =	stream.linear.gather [hbm4b:s22+s4], $0x80, $0x38;
	[tilespmem:$0x18100] =	vst v63  }
0x29: {  	_ = 	snop  }
0x2a: {  	[spmem:s2] =	stream.indirect.scatter.add.f32 [tilespmem:s15], [sflag:$0x2], $0x80, s17, s19, $0xb8;
	[tilespmem:$0x18100] =	vst v63  }
0x2b: {  	_ =	swait.ge [sflag:s14], $0x4000  }
0x2c: {  	[sflag:s14] =	ssyncset.done $0x0  }
0x2d: {  	[sflag:s14] =	ssyncadd.s32 $0xFFFFC000  }
0x2e: {  	_ =	swait.ge [sflag:s18], $0x80  }
0x2f: {  	s24 =	sadd.s32 $0x0, s11;
	[sflag:s18] =	ssyncset.done $0x0  }
0x30: {  	s23 =	sadd.s32 $0x100, s12;
	s22 =	simm.s32 $0x20;
	[sflag:s18] =	ssyncadd.s32 $0xFFFFFF80  }
.LBB2_2:
0x31: {  	[tilespmem:s17], [sflag:$0x1] =	stream.linear.gather [hbm4b:s24+s4], $0x80, $0x38;
	[tilespmem:$0x18100] =	vst v63  }
0x32: {  	s24 =	smov.u32 s22  }
0x33: {  	p0 =	sne.s32 s22, $0x4E0;
	s22 =	sadd.s32 $0x20, s22;
	_ =	swait.ge [sflag:s18], $0x80  }
0x34: {  	[sflag:s18] =	ssyncset.done $0x0  }
0x35: {  	[sflag:s18] =	ssyncadd.s32 $0xFFFFFF80  }
0x36: {  	[spmem:s2] =	stream.indirect.scatter.add.f32 [tilespmem:s15], [sflag:$0x2], $0x80, s16, s19, $0xb8;
	[tilespmem:$0x18100] =	vst v63  }
0x37: {  	_ =	swait.ge [sflag:s14], $0x4000  }
0x38: {  	s25 =	sshrl.u32 s23, $0x3;
	[sflag:s14] =	ssyncset.done $0x0  }
0x39: {  	s25 =	sadd.s32 s1, s25;
	[sflag:s14] =	ssyncadd.s32 $0xFFFFC000  }
0x3a: {  	[tilespmem:s16], [sflag:$0x1] =	stream.linear.gather [hbm4b:s25+s4], $0x80, $0x38;
	[tilespmem:$0x18100] =	vst v63  }
0x3b: {  	_ = 	snop  }
0x3c: {  	[spmem:s2] =	stream.indirect.scatter.add.f32 [tilespmem:s15], [sflag:$0x2], $0x80, s17, s19, $0xb8;
	[tilespmem:$0x18100] =	vst v63  }
0x3d: {  	_ =	swait.ge [sflag:s14], $0x4000  }
.Ltmp0:
0x3e: {  	[sflag:s14] =	ssyncset.done $0x0;
	(pc) =	sbr.rel @p0 .LBB2_2-.Ltmp0, $4  }
0x3f: {  	[sflag:s14] =	ssyncadd.s32 $0xFFFFC000  }
0x40: {  	_ =	swait.ge [sflag:s18], $0x80  }
0x41: {  	[sflag:s18] =	ssyncset.done $0x0  }
0x42: {  	s23 =	sadd.s32 $0x100, s23;
	s24 =	sadd.s32 s24, s11;
	[sflag:s18] =	ssyncadd.s32 $0xFFFFFF80  }
0x43: {  	[tilespmem:s17], [sflag:$0x1] =	stream.linear.gather [hbm4b:s24+s4], $0x80, $0x38;
	[tilespmem:$0x18100] =	vst v63  }
0x44: {  	_ =	swait.ge [sflag:s18], $0x80  }
0x45: {  	s21 =	sadd.s32 $0x1, s21;
	[sflag:s18] =	ssyncset.done $0x0  }
0x46: {  	p0 =	sne.s32 s21, s10;
	[sflag:s18] =	ssyncadd.s32 $0xFFFFFF80  }
.Ltmp1:
0x47: {  	[bflag:$0x0] =	sbarrier.arrive $0xFFFF;
	(pc) =	sbr.rel @p0 .LBB2_1-.Ltmp1, $4  }
0x48: {  	[hbm:s20], [sflag:s8] =	dma.local [spmem:s13], $0x2800  }
0x49: {  	_ =	swait.ge [sflag:s14], $0x2800  }
0x4a: {  	[sflag:s14] =	ssyncset.done $0x0  }
0x4b: {  	[sflag:s14] =	ssyncadd.s32 $0xFFFFD800  }
0x4c: {  	_ =	sfence.sel $0x180000  }
0x4d: {  	[bflag:$0x0] =	sbarrier.arrive $0xFFFF  }
0x4e: {  	p0 =	sne.s32 s3, $0x0;
	_ =	strace $0x90000047  }
0x4f: {  	s0 =	sadd.s32 @!p0 $0x100000, s0;
	[bflag:$0x2] =	sbarrier.arrive $0xFFFF  }
0x50: {  	[sflag:s0] =	ssyncadd.tile.s32 @!p0 $0x1;
	_ =	shalt  }
.Lfunc_end2:
_tile_overlayer_lowered:
.L_overlay_start_2:
0x51: {  	(tag) =	ssettag $0x2  }
0x52: {  	s0 =	rddreg [dreg:$0x0];
	s2 =	stileid.u32  }
0x53: {  	s1 =	rddreg [dreg:$0x1];
	p0 =	sne.s32 s2, $0x0  }
0x54: {  	s3 =	rddreg [dreg:$0x2];
	[bflag:$0x3] =	sbarrier.arrive $0xFFFF;
	s2 =	simm.s32 @!p0 $0x1C02  }
0x55: {  	[timem:s3], [sflag:s2] =	dma.local @!p0 [hbm:s0], s1  }
0x56: {  	s0 =	simm.s32 @!p0 $0x2  }
0x57: {  	_ =	swait.ge @!p0 [sflag:s0], s1  }
0x58: {  	s1 =	ssub.s32 @!p0 $0x0, s1;
	[sflag:s0] =	ssyncset.done @!p0 $0x0  }
0x59: {  	[sflag:s0] =	ssyncadd.s32 @!p0 s1  }
0x5a: {  	[bflag:$0x3] =	sbarrier.arrive $0xFFFF  }
0x5b: {  	_ =	shalt  }

// kernel: kernel.9.cloned.1.call-start
scs
__scs_entry_jumppad:
0x0: {  	(pc) =	sbr.rel $0x88, $3  }
0x1: {  	(tag) =	ssettag $0x0;
	lr =	simm.s32 $0x1  }
0x2: {  	[smem:$0x3F9B] =	sst lr;
	_ =	strace $0xD0000000  }
0x3: {  	_ = 	snop  }
0x4: {  	_ = 	snop  }
0x5: {  	_ = 	snop  }
0x6: {  	_ = 	snop  }
0x7: {  	_ = 	snop  }
__scs_overlays_trampoline_lowered:
0x8: {  	[smem:$0x3FAA] =	sst s0  }
0x9: {  	[smem:$0x3FAB] =	sst s1  }
0xa: {  	[smem:$0x3FAC] =	sst s2  }
0xb: {  	[smem:$0x3FAD] =	sst s3  }
0xc: {  	[smem:$0x3FAE] =	sst s4  }
0xd: {  	[smem:$0x3FAF] =	sst s5  }
0xe: {  	[smem:$0x3FB0] =	sst s6  }
0xf: {  	[smem:$0x3FB1] =	sst s7  }
0x10: {  	[smem:$0x3FB2] =	sst s8  }
0x11: {  	[smem:$0x3FB3] =	sst s9;
	s0 =	simm.s32 @!p0 $0x0  }
0x12: {  	s1 =	sld [smem:$0x3F99];
	s0 =	simm.s32 @p0 $0x1  }
0x13: {  	[smem:$0x3FB4] =	sst s0;
	s0 =	simm.s32 @!p1 $0x0  }
0x14: {  	s2 =	sld [smem:$0x3F98];
	s0 =	simm.s32 @p1 $0x1  }
0x15: {  	[smem:$0x3FB5] =	sst s0;
	s0 =	simm.s32 @!p2 $0x0  }
0x16: {  	s3 =	sld [smem:$0x3FDB];
	s0 =	simm.s32 @p2 $0x1  }
0x17: {  	s4 =	simm.s32 $0x1BF5;
	[smem:$0x3FB7] =	sst s0  }
0x18: {  	s0 =	sld [smem:$0x3F9A];
	_ =	swait.ge [sflag:s4], $0x0  }
0x19: {  	s7 =	sld [smem:$0x3F9B]  }
0x1a: {  	s8 =	sadd.s32 $0xFFFFE003, lr  }
0x1b: {  	s9 =	sadd.s32 $0xFFFFFEF7, lr;
	s5 =	simm.s32 $0xFFFFFFFF;
	p2 =	slt.u32 s8, $0xFFFFF086  }
0x1c: {  	p1 =	slt.u32 s9, $0xF7A;
	s5 =	simm.s32 @!p2 $0x0  }
0x1d: {  	s5 =	simm.s32 @p1 $0x1;
	p0 =	seq.s32 s7, s2  }
0x1e: {  	s7 =	smul.u32 @!p0 $0xF7A, s2;
	p2 =	seq.s32 @!p0 s5, $0x0  }
0x1f: {  	s9 =	smul.u32 $0xF7A, s1;
	s8 =	simm.s32 @!p0 $0x1BF5;
	p2 =	por !p2, p0  }
0x20: {  	[sflag:s8] =	ssyncset.s32 @!p0 $0xFFFFF086;
	s6 =	sadd.s32 @!p0 s3, s7;
	s7 =	simm.s32 @!p0 $0x108  }
0x21: {  	s3 =	sadd.s32 s3, s9;
	s6 =	sadd.s32 @!p0 $0x88, s6;
	s7 =	simm.s32 @p2 $0x1082  }
0x22: {  	[simem:s7], [sflag:s8] =	dma.local @!p0 [hbm:s6], $0xF7A  }
0x23: {  	s9 =	sor.u32 $0xD0000000, s2;
	s6 =	simm.s32 $0x108;
	_ =	swait.ge @!p0 [sflag:s8], $0x0  }
0x24: {  	s3 =	sadd.s32 $0x88, s3;
	s6 =	simm.s32 @!p1 $0x1082;
	[sflag:s4] =	ssyncset.s32 $0xFFFFF086  }
0x25: {  	[simem:s6], [sflag:s4] =	dma.local [hbm:s3], $0xF7A  }
0x26: {  	[smem:$0x3F9B] =	sst s1;
	(tag) =	ssettag s2;
	_ =	strace s9  }
0x27: {  	s1 =	sld [smem:$0x3FAB]  }
0x28: {  	s2 =	sld [smem:$0x3FAC]  }
0x29: {  	s4 =	sld [smem:$0x3FAE]  }
0x2a: {  	p0 =	seq.s32 s5, $0x0;
	s5 =	sld [smem:$0x3FAF]  }
0x2b: {  	s6 =	sld [smem:$0x3FB0]  }
0x2c: {  	s7 =	sld [smem:$0x3FB1]  }
0x2d: {  	s3 =	simm.s32 $0x108;
	s8 =	sld [smem:$0x3FB2]  }
0x2e: {  	s3 =	simm.s32 @!p0 $0x1082;
	s9 =	sld [smem:$0x3FB3]  }
0x2f: {  	lr =	sadd.s32 s0, s3;
	s0 =	sld [smem:$0x3FAA]  }
0x30: {  	s3 =	sld [smem:$0x3FAD]  }
0x31: {  	[smem:$0x3FB6] =	sst s10  }
0x32: {  	s10 =	sld [smem:$0x3FB4];
	_ =	sdelay $0x3  }
0x33: {  	p0 =	seq.s32 s10, $0x1;
	s10 =	sld [smem:$0x3FB6];
	_ =	sdelay $0x3  }
0x34: {  	[smem:$0x3FB6] =	sst s10  }
0x35: {  	s10 =	sld [smem:$0x3FB5];
	_ =	sdelay $0x3  }
0x36: {  	p1 =	seq.s32 s10, $0x1;
	s10 =	sld [smem:$0x3FB6];
	_ =	sdelay $0x3  }
0x37: {  	[smem:$0x3FB6] =	sst s10  }
0x38: {  	s10 =	sld [smem:$0x3FB7]  }
0x39: {  	_ = 	snop;
	(pc) =	sbr.ind lr, $3  }
0x3a: {  	_ = 	snop  }
0x3b: {  	_ = 	snop  }
0x3c: {  	p2 =	seq.s32 s10, $0x1;
	s10 =	sld [smem:$0x3FB6]  }
0x3d: {  	_ =	shalt  }
0x3e: {  	_ =	shalt  }
0x3f: {  	_ =	shalt  }
0x40: {  	_ =	shalt  }
0x41: {  	_ =	shalt  }
0x42: {  	_ =	shalt  }
0x43: {  	_ =	shalt  }
0x44: {  	_ =	shalt  }
0x45: {  	_ =	shalt  }
0x46: {  	_ =	shalt  }
0x47: {  	_ =	shalt  }
0x48: {  	_ =	shalt  }
0x49: {  	_ =	shalt  }
0x4a: {  	_ =	shalt  }
0x4b: {  	_ =	shalt  }
0x4c: {  	_ =	shalt  }
0x4d: {  	_ =	shalt  }
0x4e: {  	_ =	shalt  }
0x4f: {  	_ =	shalt  }
0x50: {  	_ =	shalt  }
0x51: {  	_ =	shalt  }
0x52: {  	_ =	shalt  }
0x53: {  	_ =	shalt  }
0x54: {  	_ =	shalt  }
0x55: {  	_ =	shalt  }
0x56: {  	_ =	shalt  }
0x57: {  	_ =	shalt  }
0x58: {  	_ =	shalt  }
0x59: {  	_ =	shalt  }
0x5a: {  	_ =	shalt  }
0x5b: {  	_ =	shalt  }
0x5c: {  	_ =	shalt  }
0x5d: {  	_ =	shalt  }
0x5e: {  	_ =	shalt  }
0x5f: {  	_ =	shalt  }
0x60: {  	_ =	shalt  }
0x61: {  	_ =	shalt  }
0x62: {  	_ =	shalt  }
0x63: {  	_ =	shalt  }
0x64: {  	_ =	shalt  }
0x65: {  	_ =	shalt  }
0x66: {  	_ =	shalt  }
0x67: {  	_ =	shalt  }
0x68: {  	_ =	shalt  }
0x69: {  	_ =	shalt  }
0x6a: {  	_ =	shalt  }
0x6b: {  	_ =	shalt  }
0x6c: {  	_ =	shalt  }
0x6d: {  	_ =	shalt  }
0x6e: {  	_ =	shalt  }
0x6f: {  	_ =	shalt  }
0x70: {  	_ =	shalt  }
0x71: {  	_ =	shalt  }
0x72: {  	_ =	shalt  }
0x73: {  	_ =	shalt  }
0x74: {  	_ =	shalt  }
0x75: {  	_ =	shalt  }
0x76: {  	_ =	shalt  }
0x77: {  	_ =	shalt  }
0x78: {  	_ =	shalt  }
0x79: {  	_ =	shalt  }
0x7a: {  	_ =	shalt  }
0x7b: {  	_ =	shalt  }
0x7c: {  	_ =	shalt  }
0x7d: {  	_ =	shalt  }
0x7e: {  	_ =	shalt  }
0x7f: {  	_ =	shalt  }
0x80: {  	_ =	shalt  }
0x81: {  	_ =	shalt  }
0x82: {  	_ =	shalt  }
0x83: {  	_ =	shalt  }
0x84: {  	_ =	shalt  }
0x85: {  	_ =	shalt  }
0x86: {  	_ =	shalt  }
0x87: {  	_ =	shalt  }
.Lfunc_end0:
.L_simem_size_0:
called_computation.1_lowered:
.L_overlay_start_0:
0x88: {  	s2 =	sld [smem:$0x3FD9]  }
0x89: {  	s3 =	sld [smem:$0x3FFE];
	_ =	sdelay $0x1  }
0x8a: {  	s1 =	srdreg.scid  }
0x8b: {  	s0 =	sand.u32 $0x1, s1  }
0x8c: {  	s17 =	sshll.u32 s0, $0xA;
	s2 =	sadd.s32 s3, s2  }
0x8d: {  	s2 =	sadd.s32 s2, s17  }
0x8e: {  	[smem:$0x3FC2] =	sst s2  }
0x8f: {  	_ = 	snop  }
0x90: {  	s2 =	sld [smem:$0x3FD0];
	(tm) =	ssettm $0x1  }
0x91: {  	s18 =	sld [smem:$0x3FFB];
	_ =	sdelay $0x3  }
0x92: {  	_ =	strace s18  }
0x93: {  	s3 =	sld [smem:$0x3FFC];
	_ =	sdelay $0x3  }
0x94: {  	_ =	strace s3  }
0x95: {  	s3 =	sld [smem:$0x3FFD];
	_ =	sdelay $0x3  }
0x96: {  	_ =	strace s3  }
0x97: {  	_ =	strace $0x8FFFFFFF  }
0x98: {  	s19 =	sld [smem:$0x3FDB];
	_ =	sdelay $0x1  }
0x99: {  	s4 =	simm.s32 $_scs_section_size  }
0x9a: {  	s5 =	simm.s32 $_size__tile_overlayer_lowered;
	s6 =	simm.s32 $_tile_overlayer_lowered  }
0x9b: {  	s22 =	simm.s32 $0x1BFF;
	s21 =	sshll.u32 s6, $0x1;
	s3 =	sadd.s32 s4, s19  }
0x9c: {  	s7 =	simm.s32 $0x0;
	s20 =	sshll.u32 s5, $0x1;
	s5 =	sadd.s32 s21, s3  }
0x9d: {  	[timem:s7], [sflag:s22] =	dma.local [hbm:s5], s20  }
0x9e: {  	_ =	swait.ge [sflag:s22], s20  }
0x9f: {  	s4 =	ssub.s32 $0x0, s20;
	[sflag:s22] =	ssyncset.done $0x0  }
0xa0: {  	[sflag:s22] =	ssyncadd.s32 s4;
	_ =	sdelay $0x1  }
0xa1: {  	s23 =	simm.s32 $0x1B8B  }
0xa2: {  	_ =	swait.ge [sflag:s23], $0x1  }
0xa3: {  	[sflag:s23] =	ssyncset.done $0x0  }
0xa4: {  	s25 =	simm.s32 $0x1B8E;
	s24 =	sld [smem:$0x3FFE];
	[sflag:s23] =	ssyncadd.s32 $0xFFFFFFFF  }
0xa5: {  	s26 =	simm.s32 $execute0_lowered;
	[smem:$0x3FD2] =	sst s25  }
0xa6: {  	s5 =	sshll.u32 s26, $0x1;
	_ =	strace $0x80000049;
	[dreg:$0x1] =	wrdreg $0xFFFFFFFF  }
0xa7: {  	s28 =	simm.s32 $_size_execute0_lowered;
	s3 =	sadd.s32 s3, s5;
	[dreg:$0x0] =	wrdreg $0x0  }
0xa8: {  	s5 =	sshll.u32 s28, $0x1;
	[dreg:$0x2] =	wrdreg s3  }
0xa9: {  	[dreg:$0x3] =	wrdreg s5  }
0xaa: {  	[dreg:$0x4] =	wrdreg $0xC0  }
0xab: {  	_ =	task [dreg:s7], $0x5FFFF  }
0xac: {  	[dreg:$0x1] =	wrdreg $0xFFFFFFFF  }
0xad: {  	[dreg:$0x0] =	wrdreg $0x60  }
0xae: {  	[dreg:$0x2] =	wrdreg s24  }
0xaf: {  	[dreg:$0x3] =	wrdreg s2  }
0xb0: {  	[dreg:$0x4] =	wrdreg $0x0  }
0xb1: {  	[dreg:$0x5] =	wrdreg $0x9  }
0xb2: {  	_ =	task.clear_ibuf [dreg:s7], $0x6FFFF;
	_ =	strace $0x90000049  }
0xb3: {  	s29 =	simm.s32 $0x9;
	_ =	strace $0x8000004B  }
0xb4: {  	_ =	swait.ge [sflag:s29], $0x1  }
0xb5: {  	[sflag:s29] =	ssyncadd.s32 $0xFFFFFFFF  }
0xb6: {  	_ =	strace $0x9000004B  }
0xb7: {  	_ =	sfence  }
0xb8: {  	s30 =	sld [smem:$0x0];
	_ =	sdelay $0x2  }
0xb9: {  	s31 =	sshll.u32 s1, $0xD;
	s1 =	sshrl.u32 s1, $0x2  }
0xba: {  	s3 =	sand.u32 $0x4000, s31;
	s1 =	sadd.s32 s1, s30  }
0xbb: {  	s0 =	sor.u32 s3, s0;
	s1 =	sshll.u32 s1, $0x11  }
0xbc: {  	s0 =	sor.u32 s1, s0  }
0xbd: {  	s0 =	sadd.s32 $0x8F2B, s0  }
0xbe: {  	[sflag:s0] =	ssyncadd.remote.s32 $0x1  }
0xbf: {  	_ =	sfence.sel $0xFFFF  }
0xc0: {  	[dreg:$0x0] =	wrdreg $0xFFFFFFFF;
	(pc) =	sbr.abs _section_cstart, $3  }
0xc1: {  	[dreg:$0x1] =	wrdreg $0xFFFFFFFF  }
0xc2: {  	_ =	task.clear_ibuf [dreg:s7], $0x2FFFF;
	_ =	strace $0x9FFFFFFF  }
0xc3: {  	(tm) =	ssettm $0x7FFFFFFF  }
tec
execute0_lowered:
.L_overlay_start_1:
0x0: {  	(tag) =	ssettag $0x1  }
0x1: {  	s0 =	rddreg [dreg:$0x0]  }
0x2: {  	s1 =	rddreg [dreg:$0x1]  }
0x3: {  	s2 =	rddreg [dreg:$0x2]  }
0x4: {  	s3 =	simm.s32 $0x0;
	s4 =	srdreg.scid;
	s16 =	stileid.u32  }
0x5: {  	s18 =	simm.s32 $0x3;
	s19 =	simm.s32 $0x14000;
	s20 =	simm.s32 $0x14100  }
0x6: {  	s21 =	simm.s32 $0x14080;
	s22 =	simm.s32 $0x14180;
	s28 =	simm.s32 $0x2  }
0x7: {  	s29 =	simm.s32 $0x18200;
	s30 =	simm.s32 $0x0;
	[smem:$0x7FF] =	sst s3  }
0x8: {  	s5 =	sadd.s32 $0x5200, s0;
	s4 =	sand.u32 $0x1, s4;
	s6 =	sadd.s32 $0x7DA00, s0  }
0x9: {  	s7 =	sshll.u32 s16, $0x1;
	s11 =	smul.u32 $0x50000, s16;
	s23 =	sadd.s32 $0x2A00, s0  }
0xa: {  	s24 =	smul.u32 $0x5200, s16;
	s26 =	sshll.u32 s16, $0x6;
	_ =	strace $0x8000004A  }
0xb: {  	s8 =	smul.u32 $0x28000, s4;
	s9 =	ssub.s32 $0x2, s4;
	s10 =	sor.u32 s4, s7  }
0xc: {  	[dreg:$0x4] =	wrdreg s23;
	s4 =	smul.u32 $0x2900, s4;
	s23 =	simm.s32 $0x80  }
0xd: {  	s12 =	sshrl.u32 s9, $0x1;
	s10 =	smul.u32 $0x2900, s10;
	s25 =	sshrl.u32 s11, $0x2  }
0xe: {  	s0 =	sadd.s32 s8, s0;
	s13 =	ssub.s32 s9, s12;
	s17 =	sadd.s32 s25, s2  }
0xf: {  	s8 =	sor.u32 $0x1C03, s26;
	s4 =	sadd.s32 s4, s24;
	s24 =	smul.u32 $0x2800, s16  }
0x10: {  	s25 =	simm.s32 $0x14200;
	s26 =	simm.s32 $0x1;
	s10 =	sshrl.u32 s10, $0x3  }
0x11: {  	s15 =	sadd.s32 $0x180, s4;
	s0 =	sadd.s32 $0x87E00, s0;
	s13 =	smax.u32 s13, $0x1  }
0x12: {  	s16 =	sadd.s32 $0x100, s4;
	s17 =	sshrl.u32 s17, $0x3;
	s31 =	sadd.s32 s6, s10  }
0x13: {  	s14 =	sor.u32 $0x10, s10;
	s10 =	sadd.s32 s1, s10;
	s15 =	sshrl.u32 s15, $0x3  }
0x14: {  	s24 =	sadd.s32 s24, s0;
	[dreg:$0x5] =	wrdreg s31;
	s11 =	sadd.s32 s6, s14  }
0x15: {  	s12 =	sadd.s32 s1, s14;
	s14 =	sadd.s32 s15, s1;
	s15 =	sadd.s32 s15, s6  }
.LBB2_1:
0x16: {  	s0 =	rddreg [dreg:$0x4]  }
0x17: {  	[spmem:s17], [sflag:s8] =	dma.local [hbm:s0], $0x2800  }
0x18: {  	_ =	swait.ge [sflag:s18], $0x2800  }
0x19: {  	[sflag:s18] =	ssyncset.done $0x0  }
0x1a: {  	[sflag:s18] =	ssyncadd.s32 $0xFFFFD800  }
0x1b: {  	[bflag:$0x0] =	sbarrier.arrive $0xFFFF  }
0x1c: {  	s4 =	rddreg [dreg:$0x5]  }
0x1d: {  	[tilespmem:s19], [sflag:$0x3] =	stream.linear.gather [hbm4b:s4+s3], $0x80, $0x38;
	[tilespmem:$0x1C200] =	vst v63  }
0x1e: {  	_ =	swait.ge [sflag:s18], $0x80  }
0x1f: {  	[sflag:s18] =	ssyncset.done $0x0  }
0x20: {  	[sflag:s18] =	ssyncadd.s32 $0xFFFFFF80  }
0x21: {  	[tilespmem:s20], [sflag:$0x3] =	stream.linear.gather [hbm4b:s10+s3], $0x80, $0x38;
	[tilespmem:$0x1C200] =	vst v63  }
0x22: {  	_ =	swait.ge [sflag:s18], $0x80  }
0x23: {  	[sflag:s18] =	ssyncset.done $0x0  }
0x24: {  	[sflag:s18] =	ssyncadd.s32 $0xFFFFFF80  }
0x25: {  	[tilespmem:s21], [sflag:$0x2] =	stream.linear.gather [hbm4b:s11+s3], $0x80, $0x38;
	[tilespmem:$0x1C200] =	vst v63  }
0x26: {  	_ = 	snop  }
0x27: {  	[tilespmem:s22], [sflag:$0x2] =	stream.linear.gather [hbm4b:s12+s3], $0x80, $0x38;
	[tilespmem:$0x1C200] =	vst v63  }
0x28: {  	_ = 	snop  }
0x29: {  	[tilespmem:s25], [sflag:$0x1] =	stream.indirect.gather [hbm4b:s5+s23], $0x80, s19, s23, $0xb8;
	[tilespmem:$0x1C200] =	vst v63  }
0x2a: {  	_ =	swait.ge [sflag:s26], $0x4000  }
0x2b: {  	[sflag:s26] =	ssyncset.done $0x0  }
0x2c: {  	[sflag:s26] =	ssyncadd.s32 $0xFFFFC000  }
0x2d: {  	[spmem:s2] =	stream.indirect.scatter.add.f32 [tilespmem:s25], [sflag:$0x3], $0x80, s20, s23, $0xb8;
	[tilespmem:$0x1C200] =	vst v63  }
0x2e: {  	_ =	swait.ge [sflag:s18], $0x4000  }
0x2f: {  	[sflag:s18] =	ssyncset.done $0x0  }
0x30: {  	[sflag:s18] =	ssyncadd.s32 $0xFFFFC000  }
0x31: {  	_ =	swait.ge [sflag:s28], $0x80  }
0x32: {  	[sflag:s28] =	ssyncset.done $0x0  }
0x33: {  	[sflag:s28] =	ssyncadd.s32 $0xFFFFFF80  }
0x34: {  	_ =	swait.ge [sflag:s28], $0x80  }
0x35: {  	s7 =	sshrl.u32 s16, $0x3;
	[sflag:s28] =	ssyncset.done $0x0  }
0x36: {  	s4 =	sadd.s32 s6, s7;
	[sflag:s28] =	ssyncadd.s32 $0xFFFFFF80  }
0x37: {  	[tilespmem:s19], [sflag:$0x2] =	stream.linear.gather [hbm4b:s4+s3], $0x80, $0x38;
	[tilespmem:$0x1C200] =	vst v63  }
0x38: {  	s0 =	sadd.s32 s1, s7  }
0x39: {  	[tilespmem:s20], [sflag:$0x2] =	stream.linear.gather [hbm4b:s0+s3], $0x80, $0x38;
	[tilespmem:$0x1C200] =	vst v63  }
0x3a: {  	_ = 	snop  }
0x3b: {  	[tilespmem:s29], [sflag:$0x1] =	stream.indirect.gather [hbm4b:s5+s23], $0x80, s21, s23, $0xb8;
	[tilespmem:$0x1C200] =	vst v63  }
0x3c: {  	_ =	swait.ge [sflag:s26], $0x4000  }
0x3d: {  	[sflag:s26] =	ssyncset.done $0x0  }
0x3e: {  	[sflag:s26] =	ssyncadd.s32 $0xFFFFC000  }
0x3f: {  	[spmem:s2] =	stream.indirect.scatter.add.f32 [tilespmem:s29], [sflag:$0x3], $0x80, s22, s23, $0xb8;
	[tilespmem:$0x1C200] =	vst v63  }
0x40: {  	_ =	swait.ge [sflag:s18], $0x4000  }
0x41: {  	[sflag:s18] =	ssyncset.done $0x0  }
0x42: {  	[sflag:s18] =	ssyncadd.s32 $0xFFFFC000  }
0x43: {  	_ =	swait.ge [sflag:s28], $0x80  }
0x44: {  	[sflag:s28] =	ssyncset.done $0x0  }
0x45: {  	[sflag:s28] =	ssyncadd.s32 $0xFFFFFF80  }
0x46: {  	_ =	swait.ge [sflag:s28], $0x80  }
0x47: {  	s9 =	sadd.s32 $0x0, s15;
	s31 =	simm.s32 $0x20;
	[sflag:s28] =	ssyncset.done $0x0  }
0x48: {  	s4 =	sadd.s32 $0x0, s14;
	s0 =	sadd.s32 $0x100, s16;
	[sflag:s28] =	ssyncadd.s32 $0xFFFFFF80  }
0x49: {  	[tilespmem:s21], [sflag:$0x2] =	stream.linear.gather [hbm4b:s9+s3], $0x80, $0x38;
	[tilespmem:$0x1C200] =	vst v63  }
.LBB2_2:
0x4a: {  	[tilespmem:s22], [sflag:$0x2] =	stream.linear.gather [hbm4b:s4+s3], $0x80, $0x38;
	[tilespmem:$0x1C200] =	vst v63  }
0x4b: {  	p0 =	sne.s32 s31, $0x4E0;
	s4 =	smov.u32 s31;
	s31 =	sadd.s32 $0x20, s31  }
0x4c: {  	[tilespmem:s25], [sflag:$0x1] =	stream.indirect.gather [hbm4b:s5+s23], $0x80, s19, s23, $0xb8;
	[tilespmem:$0x1C200] =	vst v63  }
0x4d: {  	_ =	swait.ge [sflag:s26], $0x4000  }
0x4e: {  	[sflag:s26] =	ssyncset.done $0x0  }
0x4f: {  	[sflag:s26] =	ssyncadd.s32 $0xFFFFC000  }
0x50: {  	[spmem:s2] =	stream.indirect.scatter.add.f32 [tilespmem:s25], [sflag:$0x3], $0x80, s20, s23, $0xb8;
	[tilespmem:$0x1C200] =	vst v63  }
0x51: {  	_ =	swait.ge [sflag:s18], $0x4000  }
0x52: {  	[sflag:s18] =	ssyncset.done $0x0  }
0x53: {  	[sflag:s18] =	ssyncadd.s32 $0xFFFFC000  }
0x54: {  	_ =	swait.ge [sflag:s28], $0x80  }
0x55: {  	[sflag:s28] =	ssyncset.done $0x0  }
0x56: {  	[sflag:s28] =	ssyncadd.s32 $0xFFFFFF80  }
0x57: {  	_ =	swait.ge [sflag:s28], $0x80  }
0x58: {  	s7 =	sshrl.u32 s0, $0x3;
	[sflag:s28] =	ssyncset.done $0x0  }
0x59: {  	s9 =	sadd.s32 s6, s7;
	[sflag:s28] =	ssyncadd.s32 $0xFFFFFF80  }
0x5a: {  	[tilespmem:s19], [sflag:$0x2] =	stream.linear.gather [hbm4b:s9+s3], $0x80, $0x38;
	[tilespmem:$0x1C200] =	vst v63  }
0x5b: {  	s7 =	sadd.s32 s1, s7  }
0x5c: {  	[tilespmem:s20], [sflag:$0x2] =	stream.linear.gather [hbm4b:s7+s3], $0x80, $0x38;
	[tilespmem:$0x1C200] =	vst v63  }
0x5d: {  	_ = 	snop  }
0x5e: {  	[tilespmem:s29], [sflag:$0x1] =	stream.indirect.gather [hbm4b:s5+s23], $0x80, s21, s23, $0xb8;
	[tilespmem:$0x1C200] =	vst v63  }
0x5f: {  	_ =	swait.ge [sflag:s26], $0x4000  }
0x60: {  	[sflag:s26] =	ssyncset.done $0x0  }
0x61: {  	[sflag:s26] =	ssyncadd.s32 $0xFFFFC000  }
0x62: {  	[spmem:s2] =	stream.indirect.scatter.add.f32 [tilespmem:s29], [sflag:$0x3], $0x80, s22, s23, $0xb8;
	[tilespmem:$0x1C200] =	vst v63  }
0x63: {  	_ =	swait.ge [sflag:s18], $0x4000  }
0x64: {  	[sflag:s18] =	ssyncset.done $0x0  }
0x65: {  	[sflag:s18] =	ssyncadd.s32 $0xFFFFC000  }
0x66: {  	_ =	swait.ge [sflag:s28], $0x80  }
0x67: {  	[sflag:s28] =	ssyncset.done $0x0  }
0x68: {  	[sflag:s28] =	ssyncadd.s32 $0xFFFFFF80  }
.Ltmp0:
0x69: {  	_ =	swait.ge [sflag:s28], $0x80;
	(pc) =	sbr.rel @p0 .LBB2_2-.Ltmp0, $4  }
0x6a: {  	[sflag:s28] =	ssyncset.done $0x0  }
0x6b: {  	s7 =	sadd.s32 s4, s15;
	[sflag:s28] =	ssyncadd.s32 $0xFFFFFF80  }
0x6c: {  	[tilespmem:s21], [sflag:$0x2] =	stream.linear.gather [hbm4b:s7+s3], $0x80, $0x38;
	[tilespmem:$0x1C200] =	vst v63  }
0x6d: {  	s0 =	sadd.s32 $0x100, s0;
	s4 =	sadd.s32 s4, s14  }
0x6e: {  	[tilespmem:s22], [sflag:$0x2] =	stream.linear.gather [hbm4b:s4+s3], $0x80, $0x38;
	[tilespmem:$0x1C200] =	vst v63  }
0x6f: {  	_ =	swait.ge [sflag:s28], $0x80  }
0x70: {  	[sflag:s28] =	ssyncset.done $0x0  }
0x71: {  	[sflag:s28] =	ssyncadd.s32 $0xFFFFFF80  }
0x72: {  	_ =	swait.ge [sflag:s28], $0x80  }
0x73: {  	s30 =	sadd.s32 $0x1, s30;
	[sflag:s28] =	ssyncset.done $0x0  }
0x74: {  	p0 =	sne.s32 s30, s13;
	[sflag:s28] =	ssyncadd.s32 $0xFFFFFF80  }
.Ltmp1:
0x75: {  	[bflag:$0x0] =	sbarrier.arrive $0xFFFF;
	(pc) =	sbr.rel @p0 .LBB2_1-.Ltmp1, $4  }
0x76: {  	[hbm:s24], [sflag:s8] =	dma.local [spmem:s17], $0x2800  }
0x77: {  	_ =	swait.ge [sflag:s18], $0x2800  }
0x78: {  	[sflag:s18] =	ssyncset.done $0x0  }
0x79: {  	[sflag:s18] =	ssyncadd.s32 $0xFFFFD800  }
0x7a: {  	_ =	sfence.sel $0x180000  }
0x7b: {  	[bflag:$0x0] =	sbarrier.arrive $0xFFFF  }
0x7c: {  	_ =	strace $0x9000004A  }
0x7d: {  	s0 =	stileid.u32;
	[bflag:$0x2] =	sbarrier.arrive $0xFFFF  }
0x7e: {  	p0 =	sne.s32 s0, $0x0;
	s0 =	rddreg [dreg:$0x3]  }
0x7f: {  	s0 =	sadd.s32 @!p0 $0x100000, s0  }
0x80: {  	[sflag:s0] =	ssyncadd.tile.s32 @!p0 $0x1;
	_ =	shalt  }
.Lfunc_end2:
_tile_overlayer_lowered:
.L_overlay_start_2:
0x81: {  	(tag) =	ssettag $0x2  }
0x82: {  	s0 =	rddreg [dreg:$0x0];
	s2 =	stileid.u32  }
0x83: {  	s1 =	rddreg [dreg:$0x1];
	p0 =	sne.s32 s2, $0x0  }
0x84: {  	s3 =	rddreg [dreg:$0x2];
	[bflag:$0x3] =	sbarrier.arrive $0xFFFF;
	s2 =	simm.s32 @!p0 $0x1C03  }
0x85: {  	[timem:s3], [sflag:s2] =	dma.local @!p0 [hbm:s0], s1  }
0x86: {  	s0 =	simm.s32 @!p0 $0x3  }
0x87: {  	_ =	swait.ge @!p0 [sflag:s0], s1  }
0x88: {  	s1 =	ssub.s32 @!p0 $0x0, s1;
	[sflag:s0] =	ssyncset.done @!p0 $0x0  }
0x89: {  	[sflag:s0] =	ssyncadd.s32 @!p0 s1  }
0x8a: {  	[bflag:$0x3] =	sbarrier.arrive $0xFFFF  }
0x8b: {  	_ =	shalt  }

</sc_bundles>
